<compile_context>
chip_gen: v7x
topology: tpu7x:2x2x1
jax: 0.10.2.dev20260603
libtpu: 0.0.44.dev20260713+nightly
codegen_flags: <defaults>
</compile_context>

<pallas_src>
import functools

import jax
import jax.numpy as jnp
from jax import lax
from jax.experimental import pallas as pl
from jax.experimental.pallas import tpu as pltpu
from jax.experimental.pallas import tpu_sc as plsc

_NC = 2
_NS = 16
_NW = _NC * _NS

_CH = 128
_NBUF = 5


def kernel(X, table):
    B0, S = X.shape
    V, D = table.shape
    B = B0 * S
    idx2d = X.reshape(B // _CH, _CH)
    irows_per_w = idx2d.shape[0] // _NW
    rows_per_w = B // _NW
    chunks = rows_per_w // _CH
    rounds = chunks // _NBUF

    mesh = plsc.VectorSubcoreMesh(core_axis_name="c", subcore_axis_name="s")

    @functools.partial(
        pl.kernel,
        mesh=mesh,
        out_type=jax.ShapeDtypeStruct((B, D), jnp.float32),
        scratch_types=[
            pltpu.VMEM((irows_per_w, _CH), jnp.int32),
            pltpu.VMEM((_NBUF, _CH, D), jnp.float32),
        ] + [pltpu.SemaphoreType.DMA] * (2 * _NBUF),
    )
    def gather_kernel(idx_hbm, table_hbm, out_hbm, idx_v, rows_v, *sems):
        gsems = sems[:_NBUF]
        osems = sems[_NBUF:]
        wid = lax.axis_index("s") * _NC + lax.axis_index("c")
        ibase = wid * irows_per_w
        obase = wid * rows_per_w
        pltpu.sync_copy(idx_hbm.at[pl.ds(ibase, irows_per_w)], idx_v)

        def fire_gather(i, b):
            pltpu.async_copy(table_hbm.at[idx_v.at[i]], rows_v.at[b], gsems[b])

        def wait_gather(b):
            pltpu.make_async_copy(
                out_hbm.at[pl.ds(obase, _CH)], rows_v.at[b], gsems[b],
            ).wait()

        def fire_out(i, b):
            return pltpu.async_copy(
                rows_v.at[b], out_hbm.at[pl.ds(obase + i * _CH, _CH)], osems[b])

        for b in range(_NBUF):
            fire_gather(b, b)

        def body(j, carry):
            i0 = _NBUF * j
            hs = []
            for b in range(_NBUF):
                wait_gather(b)
                hs.append(fire_out(i0 + b, b))
            for b in range(_NBUF):
                hs[b].wait()
                fire_gather(i0 + _NBUF + b, b)
            return carry

        lax.fori_loop(0, rounds - 1, body, 0)

        hs = []
        for b in range(_NBUF):
            wait_gather(b)
            hs.append(fire_out(chunks - _NBUF + b, b))
        for b in range(_NBUF):
            hs[b].wait()

    out = gather_kernel(idx2d, table)
    return out.reshape(B0, S, D)

# --- scband reference (transcript-rebuilt; emitter-appended) ---
"""Pipeline reference for scband-rnnencoder-56444460204157 (READ-ONLY COPY).

The authoritative reference and input builder live on the scoring server;
editing this copy changes nothing except your own understanding.
"""

import jax, jax.numpy as jnp
import numpy as np

VOCAB = 100000
DIM = 128
PAD = 0


def setup_inputs(seed: int = 0) -> dict:
    key = jax.random.key(seed)
    k1, k2 = jax.random.split(key)
    X = jax.random.randint(k1, (4096, 200), 0, VOCAB, dtype=jnp.int32)
    table = jax.random.normal(k2, (VOCAB, DIM), dtype=jnp.float32)
    # nn.Embedding with padding_idx zero-initializes that row
    table = table.at[PAD].set(0.0)
    return {"X": X, "table": table}


def reference(X, table):
    # Embedding lookup (gather) with padding_idx semantics:
    # rows at padding_idx map to the zero vector.
    out = jnp.take(table, X, axis=0)
    mask = (X != PAD)[..., None]
    out = jnp.where(mask, out, 0.0)
    # DropEmbedding applies word-level dropout during training only;
    # in eval mode it is the identity on the embedded output.
    return out

if __name__ == "__main__":
    import jax
    _d = setup_inputs()
    print(jax.jit(kernel)(*tuple(_d.values())))

</pallas_src>

<mosaic_0001>
#map = affine_map<(d0, d1) -> (0, 0)>
module attributes {stable_mosaic.version = 14 : i64} {
  func.func @gather_kernel(%arg0: i32, %arg1: i32, %arg2: memref<6400x128xi32, #tpu.memory_space<hbm>>, %arg3: memref<100000x128xf32, #tpu.memory_space<hbm>>, %arg4: memref<819200x128xf32, #tpu.memory_space<hbm>>, %arg5: memref<200x128xi32, #tpu.memory_space<vmem>>, %arg6: memref<5x128x128xf32, #tpu.memory_space<vmem>>, %arg7: memref<!tpu.dma_semaphore, #tpu.memory_space<semaphore_mem>>, %arg8: memref<!tpu.dma_semaphore, #tpu.memory_space<semaphore_mem>>, %arg9: memref<!tpu.dma_semaphore, #tpu.memory_space<semaphore_mem>>, %arg10: memref<!tpu.dma_semaphore, #tpu.memory_space<semaphore_mem>>, %arg11: memref<!tpu.dma_semaphore, #tpu.memory_space<semaphore_mem>>, %arg12: memref<!tpu.dma_semaphore, #tpu.memory_space<semaphore_mem>>, %arg13: memref<!tpu.dma_semaphore, #tpu.memory_space<semaphore_mem>>, %arg14: memref<!tpu.dma_semaphore, #tpu.memory_space<semaphore_mem>>, %arg15: memref<!tpu.dma_semaphore, #tpu.memory_space<semaphore_mem>>, %arg16: memref<!tpu.dma_semaphore, #tpu.memory_space<semaphore_mem>>) attributes {dimension_semantics = [#tpu.dimension_semantics<core_parallel>, #tpu.dimension_semantics<subcore_parallel>], iteration_bounds = array<i64: 2, 16>, scalar_prefetch = 0 : i64, scratch_operands = 12 : i64, tpu.core_type = #tpu.core_type<sc_vector_subcore>, window_params = [{transform_indices = #map}, {transform_indices = #map}, {transform_indices = #map}]} {
    %mul3A = arith.constant 2 : i32
    %mul3A_0 = arith.muli %arg1, %mul3A : i32
    %add3A = arith.addi %mul3A_0, %arg0 : i32
    %mul3A_1 = arith.constant 200 : i32
    %mul3A_2 = arith.muli %add3A, %mul3A_1 : i32
    %mul3A_3 = arith.constant 25600 : i32
    %mul3A_4 = arith.muli %add3A, %mul3A_3 : i32
    "tpu.region"() ({
      %run_scoped3A = tpu.sem_alloc : memref<!tpu.dma_semaphore, #tpu.memory_space<semaphore_mem>>
      %dma_start3A_273 = arith.constant 0 : i32
      %dma_start3A_274 = tpu.memref_slice %arg2[%mul3A_2, %dma_start3A_273] : memref<6400x128xi32, #tpu.memory_space<hbm>> -> memref<200x128xi32, #tpu.memory_space<hbm>>
      %dma_start3A_275 = arith.constant 0 : i32
      %dma_start3A_276 = tpu.memref_slice %arg2[%mul3A_2, %dma_start3A_275] : memref<6400x128xi32, #tpu.memory_space<hbm>> -> memref<200x128xi32, #tpu.memory_space<hbm>>
      tpu.enqueue_dma source(%dma_start3A_276 : memref<200x128xi32, #tpu.memory_space<hbm>>) target(%arg5 : memref<200x128xi32, #tpu.memory_space<vmem>>) target_semaphore(%run_scoped3A : memref<!tpu.dma_semaphore, #tpu.memory_space<semaphore_mem>>)
      %dma_wait3A_277 = arith.constant 0 : i32
      %dma_wait3A_278 = tpu.memref_slice %arg2[%mul3A_2, %dma_wait3A_277] : memref<6400x128xi32, #tpu.memory_space<hbm>> -> memref<200x128xi32, #tpu.memory_space<hbm>>
      %dma_wait3A_279 = arith.constant 0 : i32
      %dma_wait3A_280 = tpu.memref_slice %arg2[%mul3A_2, %dma_wait3A_279] : memref<6400x128xi32, #tpu.memory_space<hbm>> -> memref<200x128xi32, #tpu.memory_space<hbm>>
      tpu.wait_dma2 semaphore(%run_scoped3A : memref<!tpu.dma_semaphore, #tpu.memory_space<semaphore_mem>>) src(%dma_wait3A_280 : memref<200x128xi32, #tpu.memory_space<hbm>>) dst(%arg5 : memref<200x128xi32, #tpu.memory_space<vmem>>)
      tpu.yield
    }) : () -> ()
    %dma_start3A = arith.constant 0 : i32
    %dma_start3A_5 = arith.constant 0 : i32
    %dma_start3A_6 = arith.constant 0 : i32
    %dma_start3A_7 = arith.constant 0 : i32
    %dma_start3A_8 = tpu.memref_slice %arg6[%dma_start3A_5, %dma_start3A_6, %dma_start3A_7] : memref<5x128x128xf32, #tpu.memory_space<vmem>> -> memref<1x128x128xf32, #tpu.memory_space<vmem>>
    %dma_start3A_9 = tpu.memref_squeeze %dma_start3A_8 : memref<1x128x128xf32, #tpu.memory_space<vmem>> -> memref<128x128xf32, #tpu.memory_space<vmem>>
    %dma_start3A_10 = arith.constant 0 : i32
    %dma_start3A_11 = tpu.memref_slice %arg5[%dma_start3A, %dma_start3A_10] : memref<200x128xi32, #tpu.memory_space<vmem>> -> memref<1x128xi32, #tpu.memory_space<vmem>>
    %dma_start3A_12 = tpu.memref_squeeze %dma_start3A_11 : memref<1x128xi32, #tpu.memory_space<vmem>> -> memref<128xi32, #tpu.memory_space<vmem>>
    %dma_start3A_13 = arith.constant 0 : i32
    %dma_start3A_14 = arith.constant 0 : i32
    %dma_start3A_15 = tpu.memref_slice %arg3[%dma_start3A_13, %dma_start3A_14] : memref<100000x128xf32, #tpu.memory_space<hbm>> -> memref<100000x128xf32, #tpu.memory_space<hbm>>
    tpu.enqueue_indirect_dma source(%dma_start3A_15 : memref<100000x128xf32, #tpu.memory_space<hbm>>) target(%dma_start3A_9 : memref<128x128xf32, #tpu.memory_space<vmem>>) offsets(%dma_start3A_12 : memref<128xi32, #tpu.memory_space<vmem>>) semaphore(%arg7 : memref<!tpu.dma_semaphore, #tpu.memory_space<semaphore_mem>>)
    %dma_start3A_16 = arith.constant 1 : i32
    %dma_start3A_17 = arith.constant 1 : i32
    %dma_start3A_18 = arith.constant 0 : i32
    %dma_start3A_19 = arith.constant 0 : i32
    %dma_start3A_20 = tpu.memref_slice %arg6[%dma_start3A_17, %dma_start3A_18, %dma_start3A_19] : memref<5x128x128xf32, #tpu.memory_space<vmem>> -> memref<1x128x128xf32, #tpu.memory_space<vmem>>
    %dma_start3A_21 = tpu.memref_squeeze %dma_start3A_20 : memref<1x128x128xf32, #tpu.memory_space<vmem>> -> memref<128x128xf32, #tpu.memory_space<vmem>>
    %dma_start3A_22 = arith.constant 0 : i32
    %dma_start3A_23 = tpu.memref_slice %arg5[%dma_start3A_16, %dma_start3A_22] : memref<200x128xi32, #tpu.memory_space<vmem>> -> memref<1x128xi32, #tpu.memory_space<vmem>>
    %dma_start3A_24 = tpu.memref_squeeze %dma_start3A_23 : memref<1x128xi32, #tpu.memory_space<vmem>> -> memref<128xi32, #tpu.memory_space<vmem>>
    %dma_start3A_25 = arith.constant 0 : i32
    %dma_start3A_26 = arith.constant 0 : i32
    %dma_start3A_27 = tpu.memref_slice %arg3[%dma_start3A_25, %dma_start3A_26] : memref<100000x128xf32, #tpu.memory_space<hbm>> -> memref<100000x128xf32, #tpu.memory_space<hbm>>
    tpu.enqueue_indirect_dma source(%dma_start3A_27 : memref<100000x128xf32, #tpu.memory_space<hbm>>) target(%dma_start3A_21 : memref<128x128xf32, #tpu.memory_space<vmem>>) offsets(%dma_start3A_24 : memref<128xi32, #tpu.memory_space<vmem>>) semaphore(%arg8 : memref<!tpu.dma_semaphore, #tpu.memory_space<semaphore_mem>>)
    %dma_start3A_28 = arith.constant 2 : i32
    %dma_start3A_29 = arith.constant 2 : i32
    %dma_start3A_30 = arith.constant 0 : i32
    %dma_start3A_31 = arith.constant 0 : i32
    %dma_start3A_32 = tpu.memref_slice %arg6[%dma_start3A_29, %dma_start3A_30, %dma_start3A_31] : memref<5x128x128xf32, #tpu.memory_space<vmem>> -> memref<1x128x128xf32, #tpu.memory_space<vmem>>
    %dma_start3A_33 = tpu.memref_squeeze %dma_start3A_32 : memref<1x128x128xf32, #tpu.memory_space<vmem>> -> memref<128x128xf32, #tpu.memory_space<vmem>>
    %dma_start3A_34 = arith.constant 0 : i32
    %dma_start3A_35 = tpu.memref_slice %arg5[%dma_start3A_28, %dma_start3A_34] : memref<200x128xi32, #tpu.memory_space<vmem>> -> memref<1x128xi32, #tpu.memory_space<vmem>>
    %dma_start3A_36 = tpu.memref_squeeze %dma_start3A_35 : memref<1x128xi32, #tpu.memory_space<vmem>> -> memref<128xi32, #tpu.memory_space<vmem>>
    %dma_start3A_37 = arith.constant 0 : i32
    %dma_start3A_38 = arith.constant 0 : i32
    %dma_start3A_39 = tpu.memref_slice %arg3[%dma_start3A_37, %dma_start3A_38] : memref<100000x128xf32, #tpu.memory_space<hbm>> -> memref<100000x128xf32, #tpu.memory_space<hbm>>
    tpu.enqueue_indirect_dma source(%dma_start3A_39 : memref<100000x128xf32, #tpu.memory_space<hbm>>) target(%dma_start3A_33 : memref<128x128xf32, #tpu.memory_space<vmem>>) offsets(%dma_start3A_36 : memref<128xi32, #tpu.memory_space<vmem>>) semaphore(%arg9 : memref<!tpu.dma_semaphore, #tpu.memory_space<semaphore_mem>>)
    %dma_start3A_40 = arith.constant 3 : i32
    %dma_start3A_41 = arith.constant 3 : i32
    %dma_start3A_42 = arith.constant 0 : i32
    %dma_start3A_43 = arith.constant 0 : i32
    %dma_start3A_44 = tpu.memref_slice %arg6[%dma_start3A_41, %dma_start3A_42, %dma_start3A_43] : memref<5x128x128xf32, #tpu.memory_space<vmem>> -> memref<1x128x128xf32, #tpu.memory_space<vmem>>
    %dma_start3A_45 = tpu.memref_squeeze %dma_start3A_44 : memref<1x128x128xf32, #tpu.memory_space<vmem>> -> memref<128x128xf32, #tpu.memory_space<vmem>>
    %dma_start3A_46 = arith.constant 0 : i32
    %dma_start3A_47 = tpu.memref_slice %arg5[%dma_start3A_40, %dma_start3A_46] : memref<200x128xi32, #tpu.memory_space<vmem>> -> memref<1x128xi32, #tpu.memory_space<vmem>>
    %dma_start3A_48 = tpu.memref_squeeze %dma_start3A_47 : memref<1x128xi32, #tpu.memory_space<vmem>> -> memref<128xi32, #tpu.memory_space<vmem>>
    %dma_start3A_49 = arith.constant 0 : i32
    %dma_start3A_50 = arith.constant 0 : i32
    %dma_start3A_51 = tpu.memref_slice %arg3[%dma_start3A_49, %dma_start3A_50] : memref<100000x128xf32, #tpu.memory_space<hbm>> -> memref<100000x128xf32, #tpu.memory_space<hbm>>
    tpu.enqueue_indirect_dma source(%dma_start3A_51 : memref<100000x128xf32, #tpu.memory_space<hbm>>) target(%dma_start3A_45 : memref<128x128xf32, #tpu.memory_space<vmem>>) offsets(%dma_start3A_48 : memref<128xi32, #tpu.memory_space<vmem>>) semaphore(%arg10 : memref<!tpu.dma_semaphore, #tpu.memory_space<semaphore_mem>>)
    %dma_start3A_52 = arith.constant 4 : i32
    %dma_start3A_53 = arith.constant 4 : i32
    %dma_start3A_54 = arith.constant 0 : i32
    %dma_start3A_55 = arith.constant 0 : i32
    %dma_start3A_56 = tpu.memref_slice %arg6[%dma_start3A_53, %dma_start3A_54, %dma_start3A_55] : memref<5x128x128xf32, #tpu.memory_space<vmem>> -> memref<1x128x128xf32, #tpu.memory_space<vmem>>
    %dma_start3A_57 = tpu.memref_squeeze %dma_start3A_56 : memref<1x128x128xf32, #tpu.memory_space<vmem>> -> memref<128x128xf32, #tpu.memory_space<vmem>>
    %dma_start3A_58 = arith.constant 0 : i32
    %dma_start3A_59 = tpu.memref_slice %arg5[%dma_start3A_52, %dma_start3A_58] : memref<200x128xi32, #tpu.memory_space<vmem>> -> memref<1x128xi32, #tpu.memory_space<vmem>>
    %dma_start3A_60 = tpu.memref_squeeze %dma_start3A_59 : memref<1x128xi32, #tpu.memory_space<vmem>> -> memref<128xi32, #tpu.memory_space<vmem>>
    %dma_start3A_61 = arith.constant 0 : i32
    %dma_start3A_62 = arith.constant 0 : i32
    %dma_start3A_63 = tpu.memref_slice %arg3[%dma_start3A_61, %dma_start3A_62] : memref<100000x128xf32, #tpu.memory_space<hbm>> -> memref<100000x128xf32, #tpu.memory_space<hbm>>
    tpu.enqueue_indirect_dma source(%dma_start3A_63 : memref<100000x128xf32, #tpu.memory_space<hbm>>) target(%dma_start3A_57 : memref<128x128xf32, #tpu.memory_space<vmem>>) offsets(%dma_start3A_60 : memref<128xi32, #tpu.memory_space<vmem>>) semaphore(%arg11 : memref<!tpu.dma_semaphore, #tpu.memory_space<semaphore_mem>>)
    %scan3A = arith.constant 0 : i32
    %scan3A_64 = arith.constant 0 : i32
    %scan3A_65 = arith.constant 39 : i32
    %scan3A_66 = arith.addi %scan3A_64, %scan3A_65 : i32
    %scan3A_67 = arith.constant 1 : i32
    scf.for %scan3A_273 = %scan3A_64 to %scan3A_66 step %scan3A_67  : i32 {
      %mul3A_274 = arith.constant 5 : i32
      %mul3A_275 = arith.muli %mul3A_274, %scan3A_273 : i32
      %dma_wait3A_276 = arith.constant 0 : i32
      %dma_wait3A_277 = arith.constant 0 : i32
      %dma_wait3A_278 = arith.constant 0 : i32
      %dma_wait3A_279 = tpu.memref_slice %arg6[%dma_wait3A_276, %dma_wait3A_277, %dma_wait3A_278] : memref<5x128x128xf32, #tpu.memory_space<vmem>> -> memref<1x128x128xf32, #tpu.memory_space<vmem>>
      %dma_wait3A_280 = tpu.memref_squeeze %dma_wait3A_279 : memref<1x128x128xf32, #tpu.memory_space<vmem>> -> memref<128x128xf32, #tpu.memory_space<vmem>>
      %dma_wait3A_281 = arith.constant 0 : i32
      %dma_wait3A_282 = tpu.memref_slice %arg4[%mul3A_4, %dma_wait3A_281] : memref<819200x128xf32, #tpu.memory_space<hbm>> -> memref<128x128xf32, #tpu.memory_space<hbm>>
      %dma_wait3A_283 = arith.constant 0 : i32
      %dma_wait3A_284 = arith.constant 0 : i32
      %dma_wait3A_285 = tpu.memref_slice %arg6[%dma_wait3A_276, %dma_wait3A_283, %dma_wait3A_284] : memref<5x128x128xf32, #tpu.memory_space<vmem>> -> memref<1x128x128xf32, #tpu.memory_space<vmem>>
      %dma_wait3A_286 = tpu.memref_squeeze %dma_wait3A_285 : memref<1x128x128xf32, #tpu.memory_space<vmem>> -> memref<128x128xf32, #tpu.memory_space<vmem>>
      %dma_wait3A_287 = arith.constant 0 : i32
      %dma_wait3A_288 = tpu.memref_slice %arg4[%mul3A_4, %dma_wait3A_287] : memref<819200x128xf32, #tpu.memory_space<hbm>> -> memref<128x128xf32, #tpu.memory_space<hbm>>
      tpu.wait_dma2 semaphore(%arg7 : memref<!tpu.dma_semaphore, #tpu.memory_space<semaphore_mem>>) src(%dma_wait3A_288 : memref<128x128xf32, #tpu.memory_space<hbm>>) dst(%dma_wait3A_286 : memref<128x128xf32, #tpu.memory_space<vmem>>)
      %add3A_289 = arith.constant 0 : i32
      %add3A_290 = arith.addi %mul3A_275, %add3A_289 : i32
      %mul3A_291 = arith.constant 128 : i32
      %mul3A_292 = arith.muli %add3A_290, %mul3A_291 : i32
      %add3A_293 = arith.addi %mul3A_4, %mul3A_292 : i32
      %dma_start3A_294 = arith.constant 0 : i32
      %dma_start3A_295 = arith.constant 0 : i32
      %dma_start3A_296 = arith.constant 0 : i32
      %dma_start3A_297 = tpu.memref_slice %arg6[%dma_start3A_294, %dma_start3A_295, %dma_start3A_296] : memref<5x128x128xf32, #tpu.memory_space<vmem>> -> memref<1x128x128xf32, #tpu.memory_space<vmem>>
      %dma_start3A_298 = tpu.memref_squeeze %dma_start3A_297 : memref<1x128x128xf32, #tpu.memory_space<vmem>> -> memref<128x128xf32, #tpu.memory_space<vmem>>
      %dma_start3A_299 = arith.constant 0 : i32
      %dma_start3A_300 = tpu.memref_slice %arg4[%add3A_293, %dma_start3A_299] : memref<819200x128xf32, #tpu.memory_space<hbm>> -> memref<128x128xf32, #tpu.memory_space<hbm>>
      %dma_start3A_301 = arith.constant 0 : i32
      %dma_start3A_302 = tpu.memref_slice %arg4[%add3A_293, %dma_start3A_301] : memref<819200x128xf32, #tpu.memory_space<hbm>> -> memref<128x128xf32, #tpu.memory_space<hbm>>
      %dma_start3A_303 = arith.constant 0 : i32
      %dma_start3A_304 = arith.constant 0 : i32
      %dma_start3A_305 = tpu.memref_slice %arg6[%dma_start3A_294, %dma_start3A_303, %dma_start3A_304] : memref<5x128x128xf32, #tpu.memory_space<vmem>> -> memref<1x128x128xf32, #tpu.memory_space<vmem>>
      %dma_start3A_306 = tpu.memref_squeeze %dma_start3A_305 : memref<1x128x128xf32, #tpu.memory_space<vmem>> -> memref<128x128xf32, #tpu.memory_space<vmem>>
      tpu.enqueue_dma source(%dma_start3A_306 : memref<128x128xf32, #tpu.memory_space<vmem>>) target(%dma_start3A_302 : memref<128x128xf32, #tpu.memory_space<hbm>>) target_semaphore(%arg12 : memref<!tpu.dma_semaphore, #tpu.memory_space<semaphore_mem>>)
      %dma_wait3A_307 = arith.constant 1 : i32
      %dma_wait3A_308 = arith.constant 0 : i32
      %dma_wait3A_309 = arith.constant 0 : i32
      %dma_wait3A_310 = tpu.memref_slice %arg6[%dma_wait3A_307, %dma_wait3A_308, %dma_wait3A_309] : memref<5x128x128xf32, #tpu.memory_space<vmem>> -> memref<1x128x128xf32, #tpu.memory_space<vmem>>
      %dma_wait3A_311 = tpu.memref_squeeze %dma_wait3A_310 : memref<1x128x128xf32, #tpu.memory_space<vmem>> -> memref<128x128xf32, #tpu.memory_space<vmem>>
      %dma_wait3A_312 = arith.constant 0 : i32
      %dma_wait3A_313 = tpu.memref_slice %arg4[%mul3A_4, %dma_wait3A_312] : memref<819200x128xf32, #tpu.memory_space<hbm>> -> memref<128x128xf32, #tpu.memory_space<hbm>>
      %dma_wait3A_314 = arith.constant 0 : i32
      %dma_wait3A_315 = arith.constant 0 : i32
      %dma_wait3A_316 = tpu.memref_slice %arg6[%dma_wait3A_307, %dma_wait3A_314, %dma_wait3A_315] : memref<5x128x128xf32, #tpu.memory_space<vmem>> -> memref<1x128x128xf32, #tpu.memory_space<vmem>>
      %dma_wait3A_317 = tpu.memref_squeeze %dma_wait3A_316 : memref<1x128x128xf32, #tpu.memory_space<vmem>> -> memref<128x128xf32, #tpu.memory_space<vmem>>
      %dma_wait3A_318 = arith.constant 0 : i32
      %dma_wait3A_319 = tpu.memref_slice %arg4[%mul3A_4, %dma_wait3A_318] : memref<819200x128xf32, #tpu.memory_space<hbm>> -> memref<128x128xf32, #tpu.memory_space<hbm>>
      tpu.wait_dma2 semaphore(%arg8 : memref<!tpu.dma_semaphore, #tpu.memory_space<semaphore_mem>>) src(%dma_wait3A_319 : memref<128x128xf32, #tpu.memory_space<hbm>>) dst(%dma_wait3A_317 : memref<128x128xf32, #tpu.memory_space<vmem>>)
      %add3A_320 = arith.constant 1 : i32
      %add3A_321 = arith.addi %mul3A_275, %add3A_320 : i32
      %mul3A_322 = arith.constant 128 : i32
      %mul3A_323 = arith.muli %add3A_321, %mul3A_322 : i32
      %add3A_324 = arith.addi %mul3A_4, %mul3A_323 : i32
      %dma_start3A_325 = arith.constant 1 : i32
      %dma_start3A_326 = arith.constant 0 : i32
      %dma_start3A_327 = arith.constant 0 : i32
      %dma_start3A_328 = tpu.memref_slice %arg6[%dma_start3A_325, %dma_start3A_326, %dma_start3A_327] : memref<5x128x128xf32, #tpu.memory_space<vmem>> -> memref<1x128x128xf32, #tpu.memory_space<vmem>>
      %dma_start3A_329 = tpu.memref_squeeze %dma_start3A_328 : memref<1x128x128xf32, #tpu.memory_space<vmem>> -> memref<128x128xf32, #tpu.memory_space<vmem>>
      %dma_start3A_330 = arith.constant 0 : i32
      %dma_start3A_331 = tpu.memref_slice %arg4[%add3A_324, %dma_start3A_330] : memref<819200x128xf32, #tpu.memory_space<hbm>> -> memref<128x128xf32, #tpu.memory_space<hbm>>
      %dma_start3A_332 = arith.constant 0 : i32
      %dma_start3A_333 = tpu.memref_slice %arg4[%add3A_324, %dma_start3A_332] : memref<819200x128xf32, #tpu.memory_space<hbm>> -> memref<128x128xf32, #tpu.memory_space<hbm>>
      %dma_start3A_334 = arith.constant 0 : i32
      %dma_start3A_335 = arith.constant 0 : i32
      %dma_start3A_336 = tpu.memref_slice %arg6[%dma_start3A_325, %dma_start3A_334, %dma_start3A_335] : memref<5x128x128xf32, #tpu.memory_space<vmem>> -> memref<1x128x128xf32, #tpu.memory_space<vmem>>
      %dma_start3A_337 = tpu.memref_squeeze %dma_start3A_336 : memref<1x128x128xf32, #tpu.memory_space<vmem>> -> memref<128x128xf32, #tpu.memory_space<vmem>>
      tpu.enqueue_dma source(%dma_start3A_337 : memref<128x128xf32, #tpu.memory_space<vmem>>) target(%dma_start3A_333 : memref<128x128xf32, #tpu.memory_space<hbm>>) target_semaphore(%arg13 : memref<!tpu.dma_semaphore, #tpu.memory_space<semaphore_mem>>)
      %dma_wait3A_338 = arith.constant 2 : i32
      %dma_wait3A_339 = arith.constant 0 : i32
      %dma_wait3A_340 = arith.constant 0 : i32
      %dma_wait3A_341 = tpu.memref_slice %arg6[%dma_wait3A_338, %dma_wait3A_339, %dma_wait3A_340] : memref<5x128x128xf32, #tpu.memory_space<vmem>> -> memref<1x128x128xf32, #tpu.memory_space<vmem>>
      %dma_wait3A_342 = tpu.memref_squeeze %dma_wait3A_341 : memref<1x128x128xf32, #tpu.memory_space<vmem>> -> memref<128x128xf32, #tpu.memory_space<vmem>>
      %dma_wait3A_343 = arith.constant 0 : i32
      %dma_wait3A_344 = tpu.memref_slice %arg4[%mul3A_4, %dma_wait3A_343] : memref<819200x128xf32, #tpu.memory_space<hbm>> -> memref<128x128xf32, #tpu.memory_space<hbm>>
      %dma_wait3A_345 = arith.constant 0 : i32
      %dma_wait3A_346 = arith.constant 0 : i32
      %dma_wait3A_347 = tpu.memref_slice %arg6[%dma_wait3A_338, %dma_wait3A_345, %dma_wait3A_346] : memref<5x128x128xf32, #tpu.memory_space<vmem>> -> memref<1x128x128xf32, #tpu.memory_space<vmem>>
      %dma_wait3A_348 = tpu.memref_squeeze %dma_wait3A_347 : memref<1x128x128xf32, #tpu.memory_space<vmem>> -> memref<128x128xf32, #tpu.memory_space<vmem>>
      %dma_wait3A_349 = arith.constant 0 : i32
      %dma_wait3A_350 = tpu.memref_slice %arg4[%mul3A_4, %dma_wait3A_349] : memref<819200x128xf32, #tpu.memory_space<hbm>> -> memref<128x128xf32, #tpu.memory_space<hbm>>
      tpu.wait_dma2 semaphore(%arg9 : memref<!tpu.dma_semaphore, #tpu.memory_space<semaphore_mem>>) src(%dma_wait3A_350 : memref<128x128xf32, #tpu.memory_space<hbm>>) dst(%dma_wait3A_348 : memref<128x128xf32, #tpu.memory_space<vmem>>)
      %add3A_351 = arith.constant 2 : i32
      %add3A_352 = arith.addi %mul3A_275, %add3A_351 : i32
      %mul3A_353 = arith.constant 128 : i32
      %mul3A_354 = arith.muli %add3A_352, %mul3A_353 : i32
      %add3A_355 = arith.addi %mul3A_4, %mul3A_354 : i32
      %dma_start3A_356 = arith.constant 2 : i32
      %dma_start3A_357 = arith.constant 0 : i32
      %dma_start3A_358 = arith.constant 0 : i32
      %dma_start3A_359 = tpu.memref_slice %arg6[%dma_start3A_356, %dma_start3A_357, %dma_start3A_358] : memref<5x128x128xf32, #tpu.memory_space<vmem>> -> memref<1x128x128xf32, #tpu.memory_space<vmem>>
      %dma_start3A_360 = tpu.memref_squeeze %dma_start3A_359 : memref<1x128x128xf32, #tpu.memory_space<vmem>> -> memref<128x128xf32, #tpu.memory_space<vmem>>
      %dma_start3A_361 = arith.constant 0 : i32
      %dma_start3A_362 = tpu.memref_slice %arg4[%add3A_355, %dma_start3A_361] : memref<819200x128xf32, #tpu.memory_space<hbm>> -> memref<128x128xf32, #tpu.memory_space<hbm>>
      %dma_start3A_363 = arith.constant 0 : i32
      %dma_start3A_364 = tpu.memref_slice %arg4[%add3A_355, %dma_start3A_363] : memref<819200x128xf32, #tpu.memory_space<hbm>> -> memref<128x128xf32, #tpu.memory_space<hbm>>
      %dma_start3A_365 = arith.constant 0 : i32
      %dma_start3A_366 = arith.constant 0 : i32
      %dma_start3A_367 = tpu.memref_slice %arg6[%dma_start3A_356, %dma_start3A_365, %dma_start3A_366] : memref<5x128x128xf32, #tpu.memory_space<vmem>> -> memref<1x128x128xf32, #tpu.memory_space<vmem>>
      %dma_start3A_368 = tpu.memref_squeeze %dma_start3A_367 : memref<1x128x128xf32, #tpu.memory_space<vmem>> -> memref<128x128xf32, #tpu.memory_space<vmem>>
      tpu.enqueue_dma source(%dma_start3A_368 : memref<128x128xf32, #tpu.memory_space<vmem>>) target(%dma_start3A_364 : memref<128x128xf32, #tpu.memory_space<hbm>>) target_semaphore(%arg14 : memref<!tpu.dma_semaphore, #tpu.memory_space<semaphore_mem>>)
      %dma_wait3A_369 = arith.constant 3 : i32
      %dma_wait3A_370 = arith.constant 0 : i32
      %dma_wait3A_371 = arith.constant 0 : i32
      %dma_wait3A_372 = tpu.memref_slice %arg6[%dma_wait3A_369, %dma_wait3A_370, %dma_wait3A_371] : memref<5x128x128xf32, #tpu.memory_space<vmem>> -> memref<1x128x128xf32, #tpu.memory_space<vmem>>
      %dma_wait3A_373 = tpu.memref_squeeze %dma_wait3A_372 : memref<1x128x128xf32, #tpu.memory_space<vmem>> -> memref<128x128xf32, #tpu.memory_space<vmem>>
      %dma_wait3A_374 = arith.constant 0 : i32
      %dma_wait3A_375 = tpu.memref_slice %arg4[%mul3A_4, %dma_wait3A_374] : memref<819200x128xf32, #tpu.memory_space<hbm>> -> memref<128x128xf32, #tpu.memory_space<hbm>>
      %dma_wait3A_376 = arith.constant 0 : i32
      %dma_wait3A_377 = arith.constant 0 : i32
      %dma_wait3A_378 = tpu.memref_slice %arg6[%dma_wait3A_369, %dma_wait3A_376, %dma_wait3A_377] : memref<5x128x128xf32, #tpu.memory_space<vmem>> -> memref<1x128x128xf32, #tpu.memory_space<vmem>>
      %dma_wait3A_379 = tpu.memref_squeeze %dma_wait3A_378 : memref<1x128x128xf32, #tpu.memory_space<vmem>> -> memref<128x128xf32, #tpu.memory_space<vmem>>
      %dma_wait3A_380 = arith.constant 0 : i32
      %dma_wait3A_381 = tpu.memref_slice %arg4[%mul3A_4, %dma_wait3A_380] : memref<819200x128xf32, #tpu.memory_space<hbm>> -> memref<128x128xf32, #tpu.memory_space<hbm>>
      tpu.wait_dma2 semaphore(%arg10 : memref<!tpu.dma_semaphore, #tpu.memory_space<semaphore_mem>>) src(%dma_wait3A_381 : memref<128x128xf32, #tpu.memory_space<hbm>>) dst(%dma_wait3A_379 : memref<128x128xf32, #tpu.memory_space<vmem>>)
      %add3A_382 = arith.constant 3 : i32
      %add3A_383 = arith.addi %mul3A_275, %add3A_382 : i32
      %mul3A_384 = arith.constant 128 : i32
      %mul3A_385 = arith.muli %add3A_383, %mul3A_384 : i32
      %add3A_386 = arith.addi %mul3A_4, %mul3A_385 : i32
      %dma_start3A_387 = arith.constant 3 : i32
      %dma_start3A_388 = arith.constant 0 : i32
      %dma_start3A_389 = arith.constant 0 : i32
      %dma_start3A_390 = tpu.memref_slice %arg6[%dma_start3A_387, %dma_start3A_388, %dma_start3A_389] : memref<5x128x128xf32, #tpu.memory_space<vmem>> -> memref<1x128x128xf32, #tpu.memory_space<vmem>>
      %dma_start3A_391 = tpu.memref_squeeze %dma_start3A_390 : memref<1x128x128xf32, #tpu.memory_space<vmem>> -> memref<128x128xf32, #tpu.memory_space<vmem>>
      %dma_start3A_392 = arith.constant 0 : i32
      %dma_start3A_393 = tpu.memref_slice %arg4[%add3A_386, %dma_start3A_392] : memref<819200x128xf32, #tpu.memory_space<hbm>> -> memref<128x128xf32, #tpu.memory_space<hbm>>
      %dma_start3A_394 = arith.constant 0 : i32
      %dma_start3A_395 = tpu.memref_slice %arg4[%add3A_386, %dma_start3A_394] : memref<819200x128xf32, #tpu.memory_space<hbm>> -> memref<128x128xf32, #tpu.memory_space<hbm>>
      %dma_start3A_396 = arith.constant 0 : i32
      %dma_start3A_397 = arith.constant 0 : i32
      %dma_start3A_398 = tpu.memref_slice %arg6[%dma_start3A_387, %dma_start3A_396, %dma_start3A_397] : memref<5x128x128xf32, #tpu.memory_space<vmem>> -> memref<1x128x128xf32, #tpu.memory_space<vmem>>
      %dma_start3A_399 = tpu.memref_squeeze %dma_start3A_398 : memref<1x128x128xf32, #tpu.memory_space<vmem>> -> memref<128x128xf32, #tpu.memory_space<vmem>>
      tpu.enqueue_dma source(%dma_start3A_399 : memref<128x128xf32, #tpu.memory_space<vmem>>) target(%dma_start3A_395 : memref<128x128xf32, #tpu.memory_space<hbm>>) target_semaphore(%arg15 : memref<!tpu.dma_semaphore, #tpu.memory_space<semaphore_mem>>)
      %dma_wait3A_400 = arith.constant 4 : i32
      %dma_wait3A_401 = arith.constant 0 : i32
      %dma_wait3A_402 = arith.constant 0 : i32
      %dma_wait3A_403 = tpu.memref_slice %arg6[%dma_wait3A_400, %dma_wait3A_401, %dma_wait3A_402] : memref<5x128x128xf32, #tpu.memory_space<vmem>> -> memref<1x128x128xf32, #tpu.memory_space<vmem>>
      %dma_wait3A_404 = tpu.memref_squeeze %dma_wait3A_403 : memref<1x128x128xf32, #tpu.memory_space<vmem>> -> memref<128x128xf32, #tpu.memory_space<vmem>>
      %dma_wait3A_405 = arith.constant 0 : i32
      %dma_wait3A_406 = tpu.memref_slice %arg4[%mul3A_4, %dma_wait3A_405] : memref<819200x128xf32, #tpu.memory_space<hbm>> -> memref<128x128xf32, #tpu.memory_space<hbm>>
      %dma_wait3A_407 = arith.constant 0 : i32
      %dma_wait3A_408 = arith.constant 0 : i32
      %dma_wait3A_409 = tpu.memref_slice %arg6[%dma_wait3A_400, %dma_wait3A_407, %dma_wait3A_408] : memref<5x128x128xf32, #tpu.memory_space<vmem>> -> memref<1x128x128xf32, #tpu.memory_space<vmem>>
      %dma_wait3A_410 = tpu.memref_squeeze %dma_wait3A_409 : memref<1x128x128xf32, #tpu.memory_space<vmem>> -> memref<128x128xf32, #tpu.memory_space<vmem>>
      %dma_wait3A_411 = arith.constant 0 : i32
      %dma_wait3A_412 = tpu.memref_slice %arg4[%mul3A_4, %dma_wait3A_411] : memref<819200x128xf32, #tpu.memory_space<hbm>> -> memref<128x128xf32, #tpu.memory_space<hbm>>
      tpu.wait_dma2 semaphore(%arg11 : memref<!tpu.dma_semaphore, #tpu.memory_space<semaphore_mem>>) src(%dma_wait3A_412 : memref<128x128xf32, #tpu.memory_space<hbm>>) dst(%dma_wait3A_410 : memref<128x128xf32, #tpu.memory_space<vmem>>)
      %add3A_413 = arith.constant 4 : i32
      %add3A_414 = arith.addi %mul3A_275, %add3A_413 : i32
      %mul3A_415 = arith.constant 128 : i32
      %mul3A_416 = arith.muli %add3A_414, %mul3A_415 : i32
      %add3A_417 = arith.addi %mul3A_4, %mul3A_416 : i32
      %dma_start3A_418 = arith.constant 4 : i32
      %dma_start3A_419 = arith.constant 0 : i32
      %dma_start3A_420 = arith.constant 0 : i32
      %dma_start3A_421 = tpu.memref_slice %arg6[%dma_start3A_418, %dma_start3A_419, %dma_start3A_420] : memref<5x128x128xf32, #tpu.memory_space<vmem>> -> memref<1x128x128xf32, #tpu.memory_space<vmem>>
      %dma_start3A_422 = tpu.memref_squeeze %dma_start3A_421 : memref<1x128x128xf32, #tpu.memory_space<vmem>> -> memref<128x128xf32, #tpu.memory_space<vmem>>
      %dma_start3A_423 = arith.constant 0 : i32
      %dma_start3A_424 = tpu.memref_slice %arg4[%add3A_417, %dma_start3A_423] : memref<819200x128xf32, #tpu.memory_space<hbm>> -> memref<128x128xf32, #tpu.memory_space<hbm>>
      %dma_start3A_425 = arith.constant 0 : i32
      %dma_start3A_426 = tpu.memref_slice %arg4[%add3A_417, %dma_start3A_425] : memref<819200x128xf32, #tpu.memory_space<hbm>> -> memref<128x128xf32, #tpu.memory_space<hbm>>
      %dma_start3A_427 = arith.constant 0 : i32
      %dma_start3A_428 = arith.constant 0 : i32
      %dma_start3A_429 = tpu.memref_slice %arg6[%dma_start3A_418, %dma_start3A_427, %dma_start3A_428] : memref<5x128x128xf32, #tpu.memory_space<vmem>> -> memref<1x128x128xf32, #tpu.memory_space<vmem>>
      %dma_start3A_430 = tpu.memref_squeeze %dma_start3A_429 : memref<1x128x128xf32, #tpu.memory_space<vmem>> -> memref<128x128xf32, #tpu.memory_space<vmem>>
      tpu.enqueue_dma source(%dma_start3A_430 : memref<128x128xf32, #tpu.memory_space<vmem>>) target(%dma_start3A_426 : memref<128x128xf32, #tpu.memory_space<hbm>>) target_semaphore(%arg16 : memref<!tpu.dma_semaphore, #tpu.memory_space<semaphore_mem>>)
      %dma_wait3A_431 = arith.constant 0 : i32
      %dma_wait3A_432 = arith.constant 0 : i32
      %dma_wait3A_433 = arith.constant 0 : i32
      %dma_wait3A_434 = tpu.memref_slice %arg6[%dma_wait3A_431, %dma_wait3A_432, %dma_wait3A_433] : memref<5x128x128xf32, #tpu.memory_space<vmem>> -> memref<1x128x128xf32, #tpu.memory_space<vmem>>
      %dma_wait3A_435 = tpu.memref_squeeze %dma_wait3A_434 : memref<1x128x128xf32, #tpu.memory_space<vmem>> -> memref<128x128xf32, #tpu.memory_space<vmem>>
      %dma_wait3A_436 = arith.constant 0 : i32
      %dma_wait3A_437 = tpu.memref_slice %arg4[%add3A_293, %dma_wait3A_436] : memref<819200x128xf32, #tpu.memory_space<hbm>> -> memref<128x128xf32, #tpu.memory_space<hbm>>
      %dma_wait3A_438 = arith.constant 0 : i32
      %dma_wait3A_439 = tpu.memref_slice %arg4[%add3A_293, %dma_wait3A_438] : memref<819200x128xf32, #tpu.memory_space<hbm>> -> memref<128x128xf32, #tpu.memory_space<hbm>>
      %dma_wait3A_440 = arith.constant 0 : i32
      %dma_wait3A_441 = arith.constant 0 : i32
      %dma_wait3A_442 = tpu.memref_slice %arg6[%dma_wait3A_431, %dma_wait3A_440, %dma_wait3A_441] : memref<5x128x128xf32, #tpu.memory_space<vmem>> -> memref<1x128x128xf32, #tpu.memory_space<vmem>>
      %dma_wait3A_443 = tpu.memref_squeeze %dma_wait3A_442 : memref<1x128x128xf32, #tpu.memory_space<vmem>> -> memref<128x128xf32, #tpu.memory_space<vmem>>
      tpu.wait_dma2 semaphore(%arg12 : memref<!tpu.dma_semaphore, #tpu.memory_space<semaphore_mem>>) src(%dma_wait3A_443 : memref<128x128xf32, #tpu.memory_space<vmem>>) dst(%dma_wait3A_439 : memref<128x128xf32, #tpu.memory_space<hbm>>)
      %add3A_444 = arith.constant 5 : i32
      %add3A_445 = arith.addi %mul3A_275, %add3A_444 : i32
      %add3A_446 = arith.constant 0 : i32
      %add3A_447 = arith.addi %add3A_445, %add3A_446 : i32
      %dma_start3A_448 = arith.constant 0 : i32
      %dma_start3A_449 = arith.constant 0 : i32
      %dma_start3A_450 = arith.constant 0 : i32
      %dma_start3A_451 = tpu.memref_slice %arg6[%dma_start3A_448, %dma_start3A_449, %dma_start3A_450] : memref<5x128x128xf32, #tpu.memory_space<vmem>> -> memref<1x128x128xf32, #tpu.memory_space<vmem>>
      %dma_start3A_452 = tpu.memref_squeeze %dma_start3A_451 : memref<1x128x128xf32, #tpu.memory_space<vmem>> -> memref<128x128xf32, #tpu.memory_space<vmem>>
      %dma_start3A_453 = arith.constant 0 : i32
      %dma_start3A_454 = tpu.memref_slice %arg5[%add3A_447, %dma_start3A_453] : memref<200x128xi32, #tpu.memory_space<vmem>> -> memref<1x128xi32, #tpu.memory_space<vmem>>
      %dma_start3A_455 = tpu.memref_squeeze %dma_start3A_454 : memref<1x128xi32, #tpu.memory_space<vmem>> -> memref<128xi32, #tpu.memory_space<vmem>>
      %dma_start3A_456 = arith.constant 0 : i32
      %dma_start3A_457 = arith.constant 0 : i32
      %dma_start3A_458 = tpu.memref_slice %arg3[%dma_start3A_456, %dma_start3A_457] : memref<100000x128xf32, #tpu.memory_space<hbm>> -> memref<100000x128xf32, #tpu.memory_space<hbm>>
      tpu.enqueue_indirect_dma source(%dma_start3A_458 : memref<100000x128xf32, #tpu.memory_space<hbm>>) target(%dma_start3A_452 : memref<128x128xf32, #tpu.memory_space<vmem>>) offsets(%dma_start3A_455 : memref<128xi32, #tpu.memory_space<vmem>>) semaphore(%arg7 : memref<!tpu.dma_semaphore, #tpu.memory_space<semaphore_mem>>)
      %dma_wait3A_459 = arith.constant 1 : i32
      %dma_wait3A_460 = arith.constant 0 : i32
      %dma_wait3A_461 = arith.constant 0 : i32
      %dma_wait3A_462 = tpu.memref_slice %arg6[%dma_wait3A_459, %dma_wait3A_460, %dma_wait3A_461] : memref<5x128x128xf32, #tpu.memory_space<vmem>> -> memref<1x128x128xf32, #tpu.memory_space<vmem>>
      %dma_wait3A_463 = tpu.memref_squeeze %dma_wait3A_462 : memref<1x128x128xf32, #tpu.memory_space<vmem>> -> memref<128x128xf32, #tpu.memory_space<vmem>>
      %dma_wait3A_464 = arith.constant 0 : i32
      %dma_wait3A_465 = tpu.memref_slice %arg4[%add3A_324, %dma_wait3A_464] : memref<819200x128xf32, #tpu.memory_space<hbm>> -> memref<128x128xf32, #tpu.memory_space<hbm>>
      %dma_wait3A_466 = arith.constant 0 : i32
      %dma_wait3A_467 = tpu.memref_slice %arg4[%add3A_324, %dma_wait3A_466] : memref<819200x128xf32, #tpu.memory_space<hbm>> -> memref<128x128xf32, #tpu.memory_space<hbm>>
      %dma_wait3A_468 = arith.constant 0 : i32
      %dma_wait3A_469 = arith.constant 0 : i32
      %dma_wait3A_470 = tpu.memref_slice %arg6[%dma_wait3A_459, %dma_wait3A_468, %dma_wait3A_469] : memref<5x128x128xf32, #tpu.memory_space<vmem>> -> memref<1x128x128xf32, #tpu.memory_space<vmem>>
      %dma_wait3A_471 = tpu.memref_squeeze %dma_wait3A_470 : memref<1x128x128xf32, #tpu.memory_space<vmem>> -> memref<128x128xf32, #tpu.memory_space<vmem>>
      tpu.wait_dma2 semaphore(%arg13 : memref<!tpu.dma_semaphore, #tpu.memory_space<semaphore_mem>>) src(%dma_wait3A_471 : memref<128x128xf32, #tpu.memory_space<vmem>>) dst(%dma_wait3A_467 : memref<128x128xf32, #tpu.memory_space<hbm>>)
      %add3A_472 = arith.constant 5 : i32
      %add3A_473 = arith.addi %mul3A_275, %add3A_472 : i32
      %add3A_474 = arith.constant 1 : i32
      %add3A_475 = arith.addi %add3A_473, %add3A_474 : i32
      %dma_start3A_476 = arith.constant 1 : i32
      %dma_start3A_477 = arith.constant 0 : i32
      %dma_start3A_478 = arith.constant 0 : i32
      %dma_start3A_479 = tpu.memref_slice %arg6[%dma_start3A_476, %dma_start3A_477, %dma_start3A_478] : memref<5x128x128xf32, #tpu.memory_space<vmem>> -> memref<1x128x128xf32, #tpu.memory_space<vmem>>
      %dma_start3A_480 = tpu.memref_squeeze %dma_start3A_479 : memref<1x128x128xf32, #tpu.memory_space<vmem>> -> memref<128x128xf32, #tpu.memory_space<vmem>>
      %dma_start3A_481 = arith.constant 0 : i32
      %dma_start3A_482 = tpu.memref_slice %arg5[%add3A_475, %dma_start3A_481] : memref<200x128xi32, #tpu.memory_space<vmem>> -> memref<1x128xi32, #tpu.memory_space<vmem>>
      %dma_start3A_483 = tpu.memref_squeeze %dma_start3A_482 : memref<1x128xi32, #tpu.memory_space<vmem>> -> memref<128xi32, #tpu.memory_space<vmem>>
      %dma_start3A_484 = arith.constant 0 : i32
      %dma_start3A_485 = arith.constant 0 : i32
      %dma_start3A_486 = tpu.memref_slice %arg3[%dma_start3A_484, %dma_start3A_485] : memref<100000x128xf32, #tpu.memory_space<hbm>> -> memref<100000x128xf32, #tpu.memory_space<hbm>>
      tpu.enqueue_indirect_dma source(%dma_start3A_486 : memref<100000x128xf32, #tpu.memory_space<hbm>>) target(%dma_start3A_480 : memref<128x128xf32, #tpu.memory_space<vmem>>) offsets(%dma_start3A_483 : memref<128xi32, #tpu.memory_space<vmem>>) semaphore(%arg8 : memref<!tpu.dma_semaphore, #tpu.memory_space<semaphore_mem>>)
      %dma_wait3A_487 = arith.constant 2 : i32
      %dma_wait3A_488 = arith.constant 0 : i32
      %dma_wait3A_489 = arith.constant 0 : i32
      %dma_wait3A_490 = tpu.memref_slice %arg6[%dma_wait3A_487, %dma_wait3A_488, %dma_wait3A_489] : memref<5x128x128xf32, #tpu.memory_space<vmem>> -> memref<1x128x128xf32, #tpu.memory_space<vmem>>
      %dma_wait3A_491 = tpu.memref_squeeze %dma_wait3A_490 : memref<1x128x128xf32, #tpu.memory_space<vmem>> -> memref<128x128xf32, #tpu.memory_space<vmem>>
      %dma_wait3A_492 = arith.constant 0 : i32
      %dma_wait3A_493 = tpu.memref_slice %arg4[%add3A_355, %dma_wait3A_492] : memref<819200x128xf32, #tpu.memory_space<hbm>> -> memref<128x128xf32, #tpu.memory_space<hbm>>
      %dma_wait3A_494 = arith.constant 0 : i32
      %dma_wait3A_495 = tpu.memref_slice %arg4[%add3A_355, %dma_wait3A_494] : memref<819200x128xf32, #tpu.memory_space<hbm>> -> memref<128x128xf32, #tpu.memory_space<hbm>>
      %dma_wait3A_496 = arith.constant 0 : i32
      %dma_wait3A_497 = arith.constant 0 : i32
      %dma_wait3A_498 = tpu.memref_slice %arg6[%dma_wait3A_487, %dma_wait3A_496, %dma_wait3A_497] : memref<5x128x128xf32, #tpu.memory_space<vmem>> -> memref<1x128x128xf32, #tpu.memory_space<vmem>>
      %dma_wait3A_499 = tpu.memref_squeeze %dma_wait3A_498 : memref<1x128x128xf32, #tpu.memory_space<vmem>> -> memref<128x128xf32, #tpu.memory_space<vmem>>
      tpu.wait_dma2 semaphore(%arg14 : memref<!tpu.dma_semaphore, #tpu.memory_space<semaphore_mem>>) src(%dma_wait3A_499 : memref<128x128xf32, #tpu.memory_space<vmem>>) dst(%dma_wait3A_495 : memref<128x128xf32, #tpu.memory_space<hbm>>)
      %add3A_500 = arith.constant 5 : i32
      %add3A_501 = arith.addi %mul3A_275, %add3A_500 : i32
      %add3A_502 = arith.constant 2 : i32
      %add3A_503 = arith.addi %add3A_501, %add3A_502 : i32
      %dma_start3A_504 = arith.constant 2 : i32
      %dma_start3A_505 = arith.constant 0 : i32
      %dma_start3A_506 = arith.constant 0 : i32
      %dma_start3A_507 = tpu.memref_slice %arg6[%dma_start3A_504, %dma_start3A_505, %dma_start3A_506] : memref<5x128x128xf32, #tpu.memory_space<vmem>> -> memref<1x128x128xf32, #tpu.memory_space<vmem>>
      %dma_start3A_508 = tpu.memref_squeeze %dma_start3A_507 : memref<1x128x128xf32, #tpu.memory_space<vmem>> -> memref<128x128xf32, #tpu.memory_space<vmem>>
      %dma_start3A_509 = arith.constant 0 : i32
      %dma_start3A_510 = tpu.memref_slice %arg5[%add3A_503, %dma_start3A_509] : memref<200x128xi32, #tpu.memory_space<vmem>> -> memref<1x128xi32, #tpu.memory_space<vmem>>
      %dma_start3A_511 = tpu.memref_squeeze %dma_start3A_510 : memref<1x128xi32, #tpu.memory_space<vmem>> -> memref<128xi32, #tpu.memory_space<vmem>>
      %dma_start3A_512 = arith.constant 0 : i32
      %dma_start3A_513 = arith.constant 0 : i32
      %dma_start3A_514 = tpu.memref_slice %arg3[%dma_start3A_512, %dma_start3A_513] : memref<100000x128xf32, #tpu.memory_space<hbm>> -> memref<100000x128xf32, #tpu.memory_space<hbm>>
      tpu.enqueue_indirect_dma source(%dma_start3A_514 : memref<100000x128xf32, #tpu.memory_space<hbm>>) target(%dma_start3A_508 : memref<128x128xf32, #tpu.memory_space<vmem>>) offsets(%dma_start3A_511 : memref<128xi32, #tpu.memory_space<vmem>>) semaphore(%arg9 : memref<!tpu.dma_semaphore, #tpu.memory_space<semaphore_mem>>)
      %dma_wait3A_515 = arith.constant 3 : i32
      %dma_wait3A_516 = arith.constant 0 : i32
      %dma_wait3A_517 = arith.constant 0 : i32
      %dma_wait3A_518 = tpu.memref_slice %arg6[%dma_wait3A_515, %dma_wait3A_516, %dma_wait3A_517] : memref<5x128x128xf32, #tpu.memory_space<vmem>> -> memref<1x128x128xf32, #tpu.memory_space<vmem>>
      %dma_wait3A_519 = tpu.memref_squeeze %dma_wait3A_518 : memref<1x128x128xf32, #tpu.memory_space<vmem>> -> memref<128x128xf32, #tpu.memory_space<vmem>>
      %dma_wait3A_520 = arith.constant 0 : i32
      %dma_wait3A_521 = tpu.memref_slice %arg4[%add3A_386, %dma_wait3A_520] : memref<819200x128xf32, #tpu.memory_space<hbm>> -> memref<128x128xf32, #tpu.memory_space<hbm>>
      %dma_wait3A_522 = arith.constant 0 : i32
      %dma_wait3A_523 = tpu.memref_slice %arg4[%add3A_386, %dma_wait3A_522] : memref<819200x128xf32, #tpu.memory_space<hbm>> -> memref<128x128xf32, #tpu.memory_space<hbm>>
      %dma_wait3A_524 = arith.constant 0 : i32
      %dma_wait3A_525 = arith.constant 0 : i32
      %dma_wait3A_526 = tpu.memref_slice %arg6[%dma_wait3A_515, %dma_wait3A_524, %dma_wait3A_525] : memref<5x128x128xf32, #tpu.memory_space<vmem>> -> memref<1x128x128xf32, #tpu.memory_space<vmem>>
      %dma_wait3A_527 = tpu.memref_squeeze %dma_wait3A_526 : memref<1x128x128xf32, #tpu.memory_space<vmem>> -> memref<128x128xf32, #tpu.memory_space<vmem>>
      tpu.wait_dma2 semaphore(%arg15 : memref<!tpu.dma_semaphore, #tpu.memory_space<semaphore_mem>>) src(%dma_wait3A_527 : memref<128x128xf32, #tpu.memory_space<vmem>>) dst(%dma_wait3A_523 : memref<128x128xf32, #tpu.memory_space<hbm>>)
      %add3A_528 = arith.constant 5 : i32
      %add3A_529 = arith.addi %mul3A_275, %add3A_528 : i32
      %add3A_530 = arith.constant 3 : i32
      %add3A_531 = arith.addi %add3A_529, %add3A_530 : i32
      %dma_start3A_532 = arith.constant 3 : i32
      %dma_start3A_533 = arith.constant 0 : i32
      %dma_start3A_534 = arith.constant 0 : i32
      %dma_start3A_535 = tpu.memref_slice %arg6[%dma_start3A_532, %dma_start3A_533, %dma_start3A_534] : memref<5x128x128xf32, #tpu.memory_space<vmem>> -> memref<1x128x128xf32, #tpu.memory_space<vmem>>
      %dma_start3A_536 = tpu.memref_squeeze %dma_start3A_535 : memref<1x128x128xf32, #tpu.memory_space<vmem>> -> memref<128x128xf32, #tpu.memory_space<vmem>>
      %dma_start3A_537 = arith.constant 0 : i32
      %dma_start3A_538 = tpu.memref_slice %arg5[%add3A_531, %dma_start3A_537] : memref<200x128xi32, #tpu.memory_space<vmem>> -> memref<1x128xi32, #tpu.memory_space<vmem>>
      %dma_start3A_539 = tpu.memref_squeeze %dma_start3A_538 : memref<1x128xi32, #tpu.memory_space<vmem>> -> memref<128xi32, #tpu.memory_space<vmem>>
      %dma_start3A_540 = arith.constant 0 : i32
      %dma_start3A_541 = arith.constant 0 : i32
      %dma_start3A_542 = tpu.memref_slice %arg3[%dma_start3A_540, %dma_start3A_541] : memref<100000x128xf32, #tpu.memory_space<hbm>> -> memref<100000x128xf32, #tpu.memory_space<hbm>>
      tpu.enqueue_indirect_dma source(%dma_start3A_542 : memref<100000x128xf32, #tpu.memory_space<hbm>>) target(%dma_start3A_536 : memref<128x128xf32, #tpu.memory_space<vmem>>) offsets(%dma_start3A_539 : memref<128xi32, #tpu.memory_space<vmem>>) semaphore(%arg10 : memref<!tpu.dma_semaphore, #tpu.memory_space<semaphore_mem>>)
      %dma_wait3A_543 = arith.constant 4 : i32
      %dma_wait3A_544 = arith.constant 0 : i32
      %dma_wait3A_545 = arith.constant 0 : i32
      %dma_wait3A_546 = tpu.memref_slice %arg6[%dma_wait3A_543, %dma_wait3A_544, %dma_wait3A_545] : memref<5x128x128xf32, #tpu.memory_space<vmem>> -> memref<1x128x128xf32, #tpu.memory_space<vmem>>
      %dma_wait3A_547 = tpu.memref_squeeze %dma_wait3A_546 : memref<1x128x128xf32, #tpu.memory_space<vmem>> -> memref<128x128xf32, #tpu.memory_space<vmem>>
      %dma_wait3A_548 = arith.constant 0 : i32
      %dma_wait3A_549 = tpu.memref_slice %arg4[%add3A_417, %dma_wait3A_548] : memref<819200x128xf32, #tpu.memory_space<hbm>> -> memref<128x128xf32, #tpu.memory_space<hbm>>
      %dma_wait3A_550 = arith.constant 0 : i32
      %dma_wait3A_551 = tpu.memref_slice %arg4[%add3A_417, %dma_wait3A_550] : memref<819200x128xf32, #tpu.memory_space<hbm>> -> memref<128x128xf32, #tpu.memory_space<hbm>>
      %dma_wait3A_552 = arith.constant 0 : i32
      %dma_wait3A_553 = arith.constant 0 : i32
      %dma_wait3A_554 = tpu.memref_slice %arg6[%dma_wait3A_543, %dma_wait3A_552, %dma_wait3A_553] : memref<5x128x128xf32, #tpu.memory_space<vmem>> -> memref<1x128x128xf32, #tpu.memory_space<vmem>>
      %dma_wait3A_555 = tpu.memref_squeeze %dma_wait3A_554 : memref<1x128x128xf32, #tpu.memory_space<vmem>> -> memref<128x128xf32, #tpu.memory_space<vmem>>
      tpu.wait_dma2 semaphore(%arg16 : memref<!tpu.dma_semaphore, #tpu.memory_space<semaphore_mem>>) src(%dma_wait3A_555 : memref<128x128xf32, #tpu.memory_space<vmem>>) dst(%dma_wait3A_551 : memref<128x128xf32, #tpu.memory_space<hbm>>)
      %add3A_556 = arith.constant 5 : i32
      %add3A_557 = arith.addi %mul3A_275, %add3A_556 : i32
      %add3A_558 = arith.constant 4 : i32
      %add3A_559 = arith.addi %add3A_557, %add3A_558 : i32
      %dma_start3A_560 = arith.constant 4 : i32
      %dma_start3A_561 = arith.constant 0 : i32
      %dma_start3A_562 = arith.constant 0 : i32
      %dma_start3A_563 = tpu.memref_slice %arg6[%dma_start3A_560, %dma_start3A_561, %dma_start3A_562] : memref<5x128x128xf32, #tpu.memory_space<vmem>> -> memref<1x128x128xf32, #tpu.memory_space<vmem>>
      %dma_start3A_564 = tpu.memref_squeeze %dma_start3A_563 : memref<1x128x128xf32, #tpu.memory_space<vmem>> -> memref<128x128xf32, #tpu.memory_space<vmem>>
      %dma_start3A_565 = arith.constant 0 : i32
      %dma_start3A_566 = tpu.memref_slice %arg5[%add3A_559, %dma_start3A_565] : memref<200x128xi32, #tpu.memory_space<vmem>> -> memref<1x128xi32, #tpu.memory_space<vmem>>
      %dma_start3A_567 = tpu.memref_squeeze %dma_start3A_566 : memref<1x128xi32, #tpu.memory_space<vmem>> -> memref<128xi32, #tpu.memory_space<vmem>>
      %dma_start3A_568 = arith.constant 0 : i32
      %dma_start3A_569 = arith.constant 0 : i32
      %dma_start3A_570 = tpu.memref_slice %arg3[%dma_start3A_568, %dma_start3A_569] : memref<100000x128xf32, #tpu.memory_space<hbm>> -> memref<100000x128xf32, #tpu.memory_space<hbm>>
      tpu.enqueue_indirect_dma source(%dma_start3A_570 : memref<100000x128xf32, #tpu.memory_space<hbm>>) target(%dma_start3A_564 : memref<128x128xf32, #tpu.memory_space<vmem>>) offsets(%dma_start3A_567 : memref<128xi32, #tpu.memory_space<vmem>>) semaphore(%arg11 : memref<!tpu.dma_semaphore, #tpu.memory_space<semaphore_mem>>)
    }
    %scan3A_68 = arith.constant 39 : i32
    %dma_wait3A = arith.constant 0 : i32
    %dma_wait3A_69 = arith.constant 0 : i32
    %dma_wait3A_70 = arith.constant 0 : i32
    %dma_wait3A_71 = tpu.memref_slice %arg6[%dma_wait3A, %dma_wait3A_69, %dma_wait3A_70] : memref<5x128x128xf32, #tpu.memory_space<vmem>> -> memref<1x128x128xf32, #tpu.memory_space<vmem>>
    %dma_wait3A_72 = tpu.memref_squeeze %dma_wait3A_71 : memref<1x128x128xf32, #tpu.memory_space<vmem>> -> memref<128x128xf32, #tpu.memory_space<vmem>>
    %dma_wait3A_73 = arith.constant 0 : i32
    %dma_wait3A_74 = tpu.memref_slice %arg4[%mul3A_4, %dma_wait3A_73] : memref<819200x128xf32, #tpu.memory_space<hbm>> -> memref<128x128xf32, #tpu.memory_space<hbm>>
    %dma_wait3A_75 = arith.constant 0 : i32
    %dma_wait3A_76 = arith.constant 0 : i32
    %dma_wait3A_77 = tpu.memref_slice %arg6[%dma_wait3A, %dma_wait3A_75, %dma_wait3A_76] : memref<5x128x128xf32, #tpu.memory_space<vmem>> -> memref<1x128x128xf32, #tpu.memory_space<vmem>>
    %dma_wait3A_78 = tpu.memref_squeeze %dma_wait3A_77 : memref<1x128x128xf32, #tpu.memory_space<vmem>> -> memref<128x128xf32, #tpu.memory_space<vmem>>
    %dma_wait3A_79 = arith.constant 0 : i32
    %dma_wait3A_80 = tpu.memref_slice %arg4[%mul3A_4, %dma_wait3A_79] : memref<819200x128xf32, #tpu.memory_space<hbm>> -> memref<128x128xf32, #tpu.memory_space<hbm>>
    tpu.wait_dma2 semaphore(%arg7 : memref<!tpu.dma_semaphore, #tpu.memory_space<semaphore_mem>>) src(%dma_wait3A_80 : memref<128x128xf32, #tpu.memory_space<hbm>>) dst(%dma_wait3A_78 : memref<128x128xf32, #tpu.memory_space<vmem>>)
    %add3A_81 = arith.constant 24960 : i32
    %add3A_82 = arith.addi %mul3A_4, %add3A_81 : i32
    %dma_start3A_83 = arith.constant 0 : i32
    %dma_start3A_84 = arith.constant 0 : i32
    %dma_start3A_85 = arith.constant 0 : i32
    %dma_start3A_86 = tpu.memref_slice %arg6[%dma_start3A_83, %dma_start3A_84, %dma_start3A_85] : memref<5x128x128xf32, #tpu.memory_space<vmem>> -> memref<1x128x128xf32, #tpu.memory_space<vmem>>
    %dma_start3A_87 = tpu.memref_squeeze %dma_start3A_86 : memref<1x128x128xf32, #tpu.memory_space<vmem>> -> memref<128x128xf32, #tpu.memory_space<vmem>>
    %dma_start3A_88 = arith.constant 0 : i32
    %dma_start3A_89 = tpu.memref_slice %arg4[%add3A_82, %dma_start3A_88] : memref<819200x128xf32, #tpu.memory_space<hbm>> -> memref<128x128xf32, #tpu.memory_space<hbm>>
    %dma_start3A_90 = arith.constant 0 : i32
    %dma_start3A_91 = tpu.memref_slice %arg4[%add3A_82, %dma_start3A_90] : memref<819200x128xf32, #tpu.memory_space<hbm>> -> memref<128x128xf32, #tpu.memory_space<hbm>>
    %dma_start3A_92 = arith.constant 0 : i32
    %dma_start3A_93 = arith.constant 0 : i32
    %dma_start3A_94 = tpu.memref_slice %arg6[%dma_start3A_83, %dma_start3A_92, %dma_start3A_93] : memref<5x128x128xf32, #tpu.memory_space<vmem>> -> memref<1x128x128xf32, #tpu.memory_space<vmem>>
    %dma_start3A_95 = tpu.memref_squeeze %dma_start3A_94 : memref<1x128x128xf32, #tpu.memory_space<vmem>> -> memref<128x128xf32, #tpu.memory_space<vmem>>
    tpu.enqueue_dma source(%dma_start3A_95 : memref<128x128xf32, #tpu.memory_space<vmem>>) target(%dma_start3A_91 : memref<128x128xf32, #tpu.memory_space<hbm>>) target_semaphore(%arg12 : memref<!tpu.dma_semaphore, #tpu.memory_space<semaphore_mem>>)
    %dma_wait3A_96 = arith.constant 1 : i32
    %dma_wait3A_97 = arith.constant 0 : i32
    %dma_wait3A_98 = arith.constant 0 : i32
    %dma_wait3A_99 = tpu.memref_slice %arg6[%dma_wait3A_96, %dma_wait3A_97, %dma_wait3A_98] : memref<5x128x128xf32, #tpu.memory_space<vmem>> -> memref<1x128x128xf32, #tpu.memory_space<vmem>>
    %dma_wait3A_100 = tpu.memref_squeeze %dma_wait3A_99 : memref<1x128x128xf32, #tpu.memory_space<vmem>> -> memref<128x128xf32, #tpu.memory_space<vmem>>
    %dma_wait3A_101 = arith.constant 0 : i32
    %dma_wait3A_102 = tpu.memref_slice %arg4[%mul3A_4, %dma_wait3A_101] : memref<819200x128xf32, #tpu.memory_space<hbm>> -> memref<128x128xf32, #tpu.memory_space<hbm>>
    %dma_wait3A_103 = arith.constant 0 : i32
    %dma_wait3A_104 = arith.constant 0 : i32
    %dma_wait3A_105 = tpu.memref_slice %arg6[%dma_wait3A_96, %dma_wait3A_103, %dma_wait3A_104] : memref<5x128x128xf32, #tpu.memory_space<vmem>> -> memref<1x128x128xf32, #tpu.memory_space<vmem>>
    %dma_wait3A_106 = tpu.memref_squeeze %dma_wait3A_105 : memref<1x128x128xf32, #tpu.memory_space<vmem>> -> memref<128x128xf32, #tpu.memory_space<vmem>>
    %dma_wait3A_107 = arith.constant 0 : i32
    %dma_wait3A_108 = tpu.memref_slice %arg4[%mul3A_4, %dma_wait3A_107] : memref<819200x128xf32, #tpu.memory_space<hbm>> -> memref<128x128xf32, #tpu.memory_space<hbm>>
    tpu.wait_dma2 semaphore(%arg8 : memref<!tpu.dma_semaphore, #tpu.memory_space<semaphore_mem>>) src(%dma_wait3A_108 : memref<128x128xf32, #tpu.memory_space<hbm>>) dst(%dma_wait3A_106 : memref<128x128xf32, #tpu.memory_space<vmem>>)
    %add3A_109 = arith.constant 25088 : i32
    %add3A_110 = arith.addi %mul3A_4, %add3A_109 : i32
    %dma_start3A_111 = arith.constant 1 : i32
    %dma_start3A_112 = arith.constant 0 : i32
    %dma_start3A_113 = arith.constant 0 : i32
    %dma_start3A_114 = tpu.memref_slice %arg6[%dma_start3A_111, %dma_start3A_112, %dma_start3A_113] : memref<5x128x128xf32, #tpu.memory_space<vmem>> -> memref<1x128x128xf32, #tpu.memory_space<vmem>>
    %dma_start3A_115 = tpu.memref_squeeze %dma_start3A_114 : memref<1x128x128xf32, #tpu.memory_space<vmem>> -> memref<128x128xf32, #tpu.memory_space<vmem>>
    %dma_start3A_116 = arith.constant 0 : i32
    %dma_start3A_117 = tpu.memref_slice %arg4[%add3A_110, %dma_start3A_116] : memref<819200x128xf32, #tpu.memory_space<hbm>> -> memref<128x128xf32, #tpu.memory_space<hbm>>
    %dma_start3A_118 = arith.constant 0 : i32
    %dma_start3A_119 = tpu.memref_slice %arg4[%add3A_110, %dma_start3A_118] : memref<819200x128xf32, #tpu.memory_space<hbm>> -> memref<128x128xf32, #tpu.memory_space<hbm>>
    %dma_start3A_120 = arith.constant 0 : i32
    %dma_start3A_121 = arith.constant 0 : i32
    %dma_start3A_122 = tpu.memref_slice %arg6[%dma_start3A_111, %dma_start3A_120, %dma_start3A_121] : memref<5x128x128xf32, #tpu.memory_space<vmem>> -> memref<1x128x128xf32, #tpu.memory_space<vmem>>
    %dma_start3A_123 = tpu.memref_squeeze %dma_start3A_122 : memref<1x128x128xf32, #tpu.memory_space<vmem>> -> memref<128x128xf32, #tpu.memory_space<vmem>>
    tpu.enqueue_dma source(%dma_start3A_123 : memref<128x128xf32, #tpu.memory_space<vmem>>) target(%dma_start3A_119 : memref<128x128xf32, #tpu.memory_space<hbm>>) target_semaphore(%arg13 : memref<!tpu.dma_semaphore, #tpu.memory_space<semaphore_mem>>)
    %dma_wait3A_124 = arith.constant 2 : i32
    %dma_wait3A_125 = arith.constant 0 : i32
    %dma_wait3A_126 = arith.constant 0 : i32
    %dma_wait3A_127 = tpu.memref_slice %arg6[%dma_wait3A_124, %dma_wait3A_125, %dma_wait3A_126] : memref<5x128x128xf32, #tpu.memory_space<vmem>> -> memref<1x128x128xf32, #tpu.memory_space<vmem>>
    %dma_wait3A_128 = tpu.memref_squeeze %dma_wait3A_127 : memref<1x128x128xf32, #tpu.memory_space<vmem>> -> memref<128x128xf32, #tpu.memory_space<vmem>>
    %dma_wait3A_129 = arith.constant 0 : i32
    %dma_wait3A_130 = tpu.memref_slice %arg4[%mul3A_4, %dma_wait3A_129] : memref<819200x128xf32, #tpu.memory_space<hbm>> -> memref<128x128xf32, #tpu.memory_space<hbm>>
    %dma_wait3A_131 = arith.constant 0 : i32
    %dma_wait3A_132 = arith.constant 0 : i32
    %dma_wait3A_133 = tpu.memref_slice %arg6[%dma_wait3A_124, %dma_wait3A_131, %dma_wait3A_132] : memref<5x128x128xf32, #tpu.memory_space<vmem>> -> memref<1x128x128xf32, #tpu.memory_space<vmem>>
    %dma_wait3A_134 = tpu.memref_squeeze %dma_wait3A_133 : memref<1x128x128xf32, #tpu.memory_space<vmem>> -> memref<128x128xf32, #tpu.memory_space<vmem>>
    %dma_wait3A_135 = arith.constant 0 : i32
    %dma_wait3A_136 = tpu.memref_slice %arg4[%mul3A_4, %dma_wait3A_135] : memref<819200x128xf32, #tpu.memory_space<hbm>> -> memref<128x128xf32, #tpu.memory_space<hbm>>
    tpu.wait_dma2 semaphore(%arg9 : memref<!tpu.dma_semaphore, #tpu.memory_space<semaphore_mem>>) src(%dma_wait3A_136 : memref<128x128xf32, #tpu.memory_space<hbm>>) dst(%dma_wait3A_134 : memref<128x128xf32, #tpu.memory_space<vmem>>)
    %add3A_137 = arith.constant 25216 : i32
    %add3A_138 = arith.addi %mul3A_4, %add3A_137 : i32
    %dma_start3A_139 = arith.constant 2 : i32
    %dma_start3A_140 = arith.constant 0 : i32
    %dma_start3A_141 = arith.constant 0 : i32
    %dma_start3A_142 = tpu.memref_slice %arg6[%dma_start3A_139, %dma_start3A_140, %dma_start3A_141] : memref<5x128x128xf32, #tpu.memory_space<vmem>> -> memref<1x128x128xf32, #tpu.memory_space<vmem>>
    %dma_start3A_143 = tpu.memref_squeeze %dma_start3A_142 : memref<1x128x128xf32, #tpu.memory_space<vmem>> -> memref<128x128xf32, #tpu.memory_space<vmem>>
    %dma_start3A_144 = arith.constant 0 : i32
    %dma_start3A_145 = tpu.memref_slice %arg4[%add3A_138, %dma_start3A_144] : memref<819200x128xf32, #tpu.memory_space<hbm>> -> memref<128x128xf32, #tpu.memory_space<hbm>>
    %dma_start3A_146 = arith.constant 0 : i32
    %dma_start3A_147 = tpu.memref_slice %arg4[%add3A_138, %dma_start3A_146] : memref<819200x128xf32, #tpu.memory_space<hbm>> -> memref<128x128xf32, #tpu.memory_space<hbm>>
    %dma_start3A_148 = arith.constant 0 : i32
    %dma_start3A_149 = arith.constant 0 : i32
    %dma_start3A_150 = tpu.memref_slice %arg6[%dma_start3A_139, %dma_start3A_148, %dma_start3A_149] : memref<5x128x128xf32, #tpu.memory_space<vmem>> -> memref<1x128x128xf32, #tpu.memory_space<vmem>>
    %dma_start3A_151 = tpu.memref_squeeze %dma_start3A_150 : memref<1x128x128xf32, #tpu.memory_space<vmem>> -> memref<128x128xf32, #tpu.memory_space<vmem>>
    tpu.enqueue_dma source(%dma_start3A_151 : memref<128x128xf32, #tpu.memory_space<vmem>>) target(%dma_start3A_147 : memref<128x128xf32, #tpu.memory_space<hbm>>) target_semaphore(%arg14 : memref<!tpu.dma_semaphore, #tpu.memory_space<semaphore_mem>>)
    %dma_wait3A_152 = arith.constant 3 : i32
    %dma_wait3A_153 = arith.constant 0 : i32
    %dma_wait3A_154 = arith.constant 0 : i32
    %dma_wait3A_155 = tpu.memref_slice %arg6[%dma_wait3A_152, %dma_wait3A_153, %dma_wait3A_154] : memref<5x128x128xf32, #tpu.memory_space<vmem>> -> memref<1x128x128xf32, #tpu.memory_space<vmem>>
    %dma_wait3A_156 = tpu.memref_squeeze %dma_wait3A_155 : memref<1x128x128xf32, #tpu.memory_space<vmem>> -> memref<128x128xf32, #tpu.memory_space<vmem>>
    %dma_wait3A_157 = arith.constant 0 : i32
    %dma_wait3A_158 = tpu.memref_slice %arg4[%mul3A_4, %dma_wait3A_157] : memref<819200x128xf32, #tpu.memory_space<hbm>> -> memref<128x128xf32, #tpu.memory_space<hbm>>
    %dma_wait3A_159 = arith.constant 0 : i32
    %dma_wait3A_160 = arith.constant 0 : i32
    %dma_wait3A_161 = tpu.memref_slice %arg6[%dma_wait3A_152, %dma_wait3A_159, %dma_wait3A_160] : memref<5x128x128xf32, #tpu.memory_space<vmem>> -> memref<1x128x128xf32, #tpu.memory_space<vmem>>
    %dma_wait3A_162 = tpu.memref_squeeze %dma_wait3A_161 : memref<1x128x128xf32, #tpu.memory_space<vmem>> -> memref<128x128xf32, #tpu.memory_space<vmem>>
    %dma_wait3A_163 = arith.constant 0 : i32
    %dma_wait3A_164 = tpu.memref_slice %arg4[%mul3A_4, %dma_wait3A_163] : memref<819200x128xf32, #tpu.memory_space<hbm>> -> memref<128x128xf32, #tpu.memory_space<hbm>>
    tpu.wait_dma2 semaphore(%arg10 : memref<!tpu.dma_semaphore, #tpu.memory_space<semaphore_mem>>) src(%dma_wait3A_164 : memref<128x128xf32, #tpu.memory_space<hbm>>) dst(%dma_wait3A_162 : memref<128x128xf32, #tpu.memory_space<vmem>>)
    %add3A_165 = arith.constant 25344 : i32
    %add3A_166 = arith.addi %mul3A_4, %add3A_165 : i32
    %dma_start3A_167 = arith.constant 3 : i32
    %dma_start3A_168 = arith.constant 0 : i32
    %dma_start3A_169 = arith.constant 0 : i32
    %dma_start3A_170 = tpu.memref_slice %arg6[%dma_start3A_167, %dma_start3A_168, %dma_start3A_169] : memref<5x128x128xf32, #tpu.memory_space<vmem>> -> memref<1x128x128xf32, #tpu.memory_space<vmem>>
    %dma_start3A_171 = tpu.memref_squeeze %dma_start3A_170 : memref<1x128x128xf32, #tpu.memory_space<vmem>> -> memref<128x128xf32, #tpu.memory_space<vmem>>
    %dma_start3A_172 = arith.constant 0 : i32
    %dma_start3A_173 = tpu.memref_slice %arg4[%add3A_166, %dma_start3A_172] : memref<819200x128xf32, #tpu.memory_space<hbm>> -> memref<128x128xf32, #tpu.memory_space<hbm>>
    %dma_start3A_174 = arith.constant 0 : i32
    %dma_start3A_175 = tpu.memref_slice %arg4[%add3A_166, %dma_start3A_174] : memref<819200x128xf32, #tpu.memory_space<hbm>> -> memref<128x128xf32, #tpu.memory_space<hbm>>
    %dma_start3A_176 = arith.constant 0 : i32
    %dma_start3A_177 = arith.constant 0 : i32
    %dma_start3A_178 = tpu.memref_slice %arg6[%dma_start3A_167, %dma_start3A_176, %dma_start3A_177] : memref<5x128x128xf32, #tpu.memory_space<vmem>> -> memref<1x128x128xf32, #tpu.memory_space<vmem>>
    %dma_start3A_179 = tpu.memref_squeeze %dma_start3A_178 : memref<1x128x128xf32, #tpu.memory_space<vmem>> -> memref<128x128xf32, #tpu.memory_space<vmem>>
    tpu.enqueue_dma source(%dma_start3A_179 : memref<128x128xf32, #tpu.memory_space<vmem>>) target(%dma_start3A_175 : memref<128x128xf32, #tpu.memory_space<hbm>>) target_semaphore(%arg15 : memref<!tpu.dma_semaphore, #tpu.memory_space<semaphore_mem>>)
    %dma_wait3A_180 = arith.constant 4 : i32
    %dma_wait3A_181 = arith.constant 0 : i32
    %dma_wait3A_182 = arith.constant 0 : i32
    %dma_wait3A_183 = tpu.memref_slice %arg6[%dma_wait3A_180, %dma_wait3A_181, %dma_wait3A_182] : memref<5x128x128xf32, #tpu.memory_space<vmem>> -> memref<1x128x128xf32, #tpu.memory_space<vmem>>
    %dma_wait3A_184 = tpu.memref_squeeze %dma_wait3A_183 : memref<1x128x128xf32, #tpu.memory_space<vmem>> -> memref<128x128xf32, #tpu.memory_space<vmem>>
    %dma_wait3A_185 = arith.constant 0 : i32
    %dma_wait3A_186 = tpu.memref_slice %arg4[%mul3A_4, %dma_wait3A_185] : memref<819200x128xf32, #tpu.memory_space<hbm>> -> memref<128x128xf32, #tpu.memory_space<hbm>>
    %dma_wait3A_187 = arith.constant 0 : i32
    %dma_wait3A_188 = arith.constant 0 : i32
    %dma_wait3A_189 = tpu.memref_slice %arg6[%dma_wait3A_180, %dma_wait3A_187, %dma_wait3A_188] : memref<5x128x128xf32, #tpu.memory_space<vmem>> -> memref<1x128x128xf32, #tpu.memory_space<vmem>>
    %dma_wait3A_190 = tpu.memref_squeeze %dma_wait3A_189 : memref<1x128x128xf32, #tpu.memory_space<vmem>> -> memref<128x128xf32, #tpu.memory_space<vmem>>
    %dma_wait3A_191 = arith.constant 0 : i32
    %dma_wait3A_192 = tpu.memref_slice %arg4[%mul3A_4, %dma_wait3A_191] : memref<819200x128xf32, #tpu.memory_space<hbm>> -> memref<128x128xf32, #tpu.memory_space<hbm>>
    tpu.wait_dma2 semaphore(%arg11 : memref<!tpu.dma_semaphore, #tpu.memory_space<semaphore_mem>>) src(%dma_wait3A_192 : memref<128x128xf32, #tpu.memory_space<hbm>>) dst(%dma_wait3A_190 : memref<128x128xf32, #tpu.memory_space<vmem>>)
    %add3A_193 = arith.constant 25472 : i32
    %add3A_194 = arith.addi %mul3A_4, %add3A_193 : i32
    %dma_start3A_195 = arith.constant 4 : i32
    %dma_start3A_196 = arith.constant 0 : i32
    %dma_start3A_197 = arith.constant 0 : i32
    %dma_start3A_198 = tpu.memref_slice %arg6[%dma_start3A_195, %dma_start3A_196, %dma_start3A_197] : memref<5x128x128xf32, #tpu.memory_space<vmem>> -> memref<1x128x128xf32, #tpu.memory_space<vmem>>
    %dma_start3A_199 = tpu.memref_squeeze %dma_start3A_198 : memref<1x128x128xf32, #tpu.memory_space<vmem>> -> memref<128x128xf32, #tpu.memory_space<vmem>>
    %dma_start3A_200 = arith.constant 0 : i32
    %dma_start3A_201 = tpu.memref_slice %arg4[%add3A_194, %dma_start3A_200] : memref<819200x128xf32, #tpu.memory_space<hbm>> -> memref<128x128xf32, #tpu.memory_space<hbm>>
    %dma_start3A_202 = arith.constant 0 : i32
    %dma_start3A_203 = tpu.memref_slice %arg4[%add3A_194, %dma_start3A_202] : memref<819200x128xf32, #tpu.memory_space<hbm>> -> memref<128x128xf32, #tpu.memory_space<hbm>>
    %dma_start3A_204 = arith.constant 0 : i32
    %dma_start3A_205 = arith.constant 0 : i32
    %dma_start3A_206 = tpu.memref_slice %arg6[%dma_start3A_195, %dma_start3A_204, %dma_start3A_205] : memref<5x128x128xf32, #tpu.memory_space<vmem>> -> memref<1x128x128xf32, #tpu.memory_space<vmem>>
    %dma_start3A_207 = tpu.memref_squeeze %dma_start3A_206 : memref<1x128x128xf32, #tpu.memory_space<vmem>> -> memref<128x128xf32, #tpu.memory_space<vmem>>
    tpu.enqueue_dma source(%dma_start3A_207 : memref<128x128xf32, #tpu.memory_space<vmem>>) target(%dma_start3A_203 : memref<128x128xf32, #tpu.memory_space<hbm>>) target_semaphore(%arg16 : memref<!tpu.dma_semaphore, #tpu.memory_space<semaphore_mem>>)
    %dma_wait3A_208 = arith.constant 0 : i32
    %dma_wait3A_209 = arith.constant 0 : i32
    %dma_wait3A_210 = arith.constant 0 : i32
    %dma_wait3A_211 = tpu.memref_slice %arg6[%dma_wait3A_208, %dma_wait3A_209, %dma_wait3A_210] : memref<5x128x128xf32, #tpu.memory_space<vmem>> -> memref<1x128x128xf32, #tpu.memory_space<vmem>>
    %dma_wait3A_212 = tpu.memref_squeeze %dma_wait3A_211 : memref<1x128x128xf32, #tpu.memory_space<vmem>> -> memref<128x128xf32, #tpu.memory_space<vmem>>
    %dma_wait3A_213 = arith.constant 0 : i32
    %dma_wait3A_214 = tpu.memref_slice %arg4[%add3A_82, %dma_wait3A_213] : memref<819200x128xf32, #tpu.memory_space<hbm>> -> memref<128x128xf32, #tpu.memory_space<hbm>>
    %dma_wait3A_215 = arith.constant 0 : i32
    %dma_wait3A_216 = tpu.memref_slice %arg4[%add3A_82, %dma_wait3A_215] : memref<819200x128xf32, #tpu.memory_space<hbm>> -> memref<128x128xf32, #tpu.memory_space<hbm>>
    %dma_wait3A_217 = arith.constant 0 : i32
    %dma_wait3A_218 = arith.constant 0 : i32
    %dma_wait3A_219 = tpu.memref_slice %arg6[%dma_wait3A_208, %dma_wait3A_217, %dma_wait3A_218] : memref<5x128x128xf32, #tpu.memory_space<vmem>> -> memref<1x128x128xf32, #tpu.memory_space<vmem>>
    %dma_wait3A_220 = tpu.memref_squeeze %dma_wait3A_219 : memref<1x128x128xf32, #tpu.memory_space<vmem>> -> memref<128x128xf32, #tpu.memory_space<vmem>>
    tpu.wait_dma2 semaphore(%arg12 : memref<!tpu.dma_semaphore, #tpu.memory_space<semaphore_mem>>) src(%dma_wait3A_220 : memref<128x128xf32, #tpu.memory_space<vmem>>) dst(%dma_wait3A_216 : memref<128x128xf32, #tpu.memory_space<hbm>>)
    %dma_wait3A_221 = arith.constant 1 : i32
    %dma_wait3A_222 = arith.constant 0 : i32
    %dma_wait3A_223 = arith.constant 0 : i32
    %dma_wait3A_224 = tpu.memref_slice %arg6[%dma_wait3A_221, %dma_wait3A_222, %dma_wait3A_223] : memref<5x128x128xf32, #tpu.memory_space<vmem>> -> memref<1x128x128xf32, #tpu.memory_space<vmem>>
    %dma_wait3A_225 = tpu.memref_squeeze %dma_wait3A_224 : memref<1x128x128xf32, #tpu.memory_space<vmem>> -> memref<128x128xf32, #tpu.memory_space<vmem>>
    %dma_wait3A_226 = arith.constant 0 : i32
    %dma_wait3A_227 = tpu.memref_slice %arg4[%add3A_110, %dma_wait3A_226] : memref<819200x128xf32, #tpu.memory_space<hbm>> -> memref<128x128xf32, #tpu.memory_space<hbm>>
    %dma_wait3A_228 = arith.constant 0 : i32
    %dma_wait3A_229 = tpu.memref_slice %arg4[%add3A_110, %dma_wait3A_228] : memref<819200x128xf32, #tpu.memory_space<hbm>> -> memref<128x128xf32, #tpu.memory_space<hbm>>
    %dma_wait3A_230 = arith.constant 0 : i32
    %dma_wait3A_231 = arith.constant 0 : i32
    %dma_wait3A_232 = tpu.memref_slice %arg6[%dma_wait3A_221, %dma_wait3A_230, %dma_wait3A_231] : memref<5x128x128xf32, #tpu.memory_space<vmem>> -> memref<1x128x128xf32, #tpu.memory_space<vmem>>
    %dma_wait3A_233 = tpu.memref_squeeze %dma_wait3A_232 : memref<1x128x128xf32, #tpu.memory_space<vmem>> -> memref<128x128xf32, #tpu.memory_space<vmem>>
    tpu.wait_dma2 semaphore(%arg13 : memref<!tpu.dma_semaphore, #tpu.memory_space<semaphore_mem>>) src(%dma_wait3A_233 : memref<128x128xf32, #tpu.memory_space<vmem>>) dst(%dma_wait3A_229 : memref<128x128xf32, #tpu.memory_space<hbm>>)
    %dma_wait3A_234 = arith.constant 2 : i32
    %dma_wait3A_235 = arith.constant 0 : i32
    %dma_wait3A_236 = arith.constant 0 : i32
    %dma_wait3A_237 = tpu.memref_slice %arg6[%dma_wait3A_234, %dma_wait3A_235, %dma_wait3A_236] : memref<5x128x128xf32, #tpu.memory_space<vmem>> -> memref<1x128x128xf32, #tpu.memory_space<vmem>>
    %dma_wait3A_238 = tpu.memref_squeeze %dma_wait3A_237 : memref<1x128x128xf32, #tpu.memory_space<vmem>> -> memref<128x128xf32, #tpu.memory_space<vmem>>
    %dma_wait3A_239 = arith.constant 0 : i32
    %dma_wait3A_240 = tpu.memref_slice %arg4[%add3A_138, %dma_wait3A_239] : memref<819200x128xf32, #tpu.memory_space<hbm>> -> memref<128x128xf32, #tpu.memory_space<hbm>>
    %dma_wait3A_241 = arith.constant 0 : i32
    %dma_wait3A_242 = tpu.memref_slice %arg4[%add3A_138, %dma_wait3A_241] : memref<819200x128xf32, #tpu.memory_space<hbm>> -> memref<128x128xf32, #tpu.memory_space<hbm>>
    %dma_wait3A_243 = arith.constant 0 : i32
    %dma_wait3A_244 = arith.constant 0 : i32
    %dma_wait3A_245 = tpu.memref_slice %arg6[%dma_wait3A_234, %dma_wait3A_243, %dma_wait3A_244] : memref<5x128x128xf32, #tpu.memory_space<vmem>> -> memref<1x128x128xf32, #tpu.memory_space<vmem>>
    %dma_wait3A_246 = tpu.memref_squeeze %dma_wait3A_245 : memref<1x128x128xf32, #tpu.memory_space<vmem>> -> memref<128x128xf32, #tpu.memory_space<vmem>>
    tpu.wait_dma2 semaphore(%arg14 : memref<!tpu.dma_semaphore, #tpu.memory_space<semaphore_mem>>) src(%dma_wait3A_246 : memref<128x128xf32, #tpu.memory_space<vmem>>) dst(%dma_wait3A_242 : memref<128x128xf32, #tpu.memory_space<hbm>>)
    %dma_wait3A_247 = arith.constant 3 : i32
    %dma_wait3A_248 = arith.constant 0 : i32
    %dma_wait3A_249 = arith.constant 0 : i32
    %dma_wait3A_250 = tpu.memref_slice %arg6[%dma_wait3A_247, %dma_wait3A_248, %dma_wait3A_249] : memref<5x128x128xf32, #tpu.memory_space<vmem>> -> memref<1x128x128xf32, #tpu.memory_space<vmem>>
    %dma_wait3A_251 = tpu.memref_squeeze %dma_wait3A_250 : memref<1x128x128xf32, #tpu.memory_space<vmem>> -> memref<128x128xf32, #tpu.memory_space<vmem>>
    %dma_wait3A_252 = arith.constant 0 : i32
    %dma_wait3A_253 = tpu.memref_slice %arg4[%add3A_166, %dma_wait3A_252] : memref<819200x128xf32, #tpu.memory_space<hbm>> -> memref<128x128xf32, #tpu.memory_space<hbm>>
    %dma_wait3A_254 = arith.constant 0 : i32
    %dma_wait3A_255 = tpu.memref_slice %arg4[%add3A_166, %dma_wait3A_254] : memref<819200x128xf32, #tpu.memory_space<hbm>> -> memref<128x128xf32, #tpu.memory_space<hbm>>
    %dma_wait3A_256 = arith.constant 0 : i32
    %dma_wait3A_257 = arith.constant 0 : i32
    %dma_wait3A_258 = tpu.memref_slice %arg6[%dma_wait3A_247, %dma_wait3A_256, %dma_wait3A_257] : memref<5x128x128xf32, #tpu.memory_space<vmem>> -> memref<1x128x128xf32, #tpu.memory_space<vmem>>
    %dma_wait3A_259 = tpu.memref_squeeze %dma_wait3A_258 : memref<1x128x128xf32, #tpu.memory_space<vmem>> -> memref<128x128xf32, #tpu.memory_space<vmem>>
    tpu.wait_dma2 semaphore(%arg15 : memref<!tpu.dma_semaphore, #tpu.memory_space<semaphore_mem>>) src(%dma_wait3A_259 : memref<128x128xf32, #tpu.memory_space<vmem>>) dst(%dma_wait3A_255 : memref<128x128xf32, #tpu.memory_space<hbm>>)
    %dma_wait3A_260 = arith.constant 4 : i32
    %dma_wait3A_261 = arith.constant 0 : i32
    %dma_wait3A_262 = arith.constant 0 : i32
    %dma_wait3A_263 = tpu.memref_slice %arg6[%dma_wait3A_260, %dma_wait3A_261, %dma_wait3A_262] : memref<5x128x128xf32, #tpu.memory_space<vmem>> -> memref<1x128x128xf32, #tpu.memory_space<vmem>>
    %dma_wait3A_264 = tpu.memref_squeeze %dma_wait3A_263 : memref<1x128x128xf32, #tpu.memory_space<vmem>> -> memref<128x128xf32, #tpu.memory_space<vmem>>
    %dma_wait3A_265 = arith.constant 0 : i32
    %dma_wait3A_266 = tpu.memref_slice %arg4[%add3A_194, %dma_wait3A_265] : memref<819200x128xf32, #tpu.memory_space<hbm>> -> memref<128x128xf32, #tpu.memory_space<hbm>>
    %dma_wait3A_267 = arith.constant 0 : i32
    %dma_wait3A_268 = tpu.memref_slice %arg4[%add3A_194, %dma_wait3A_267] : memref<819200x128xf32, #tpu.memory_space<hbm>> -> memref<128x128xf32, #tpu.memory_space<hbm>>
    %dma_wait3A_269 = arith.constant 0 : i32
    %dma_wait3A_270 = arith.constant 0 : i32
    %dma_wait3A_271 = tpu.memref_slice %arg6[%dma_wait3A_260, %dma_wait3A_269, %dma_wait3A_270] : memref<5x128x128xf32, #tpu.memory_space<vmem>> -> memref<1x128x128xf32, #tpu.memory_space<vmem>>
    %dma_wait3A_272 = tpu.memref_squeeze %dma_wait3A_271 : memref<1x128x128xf32, #tpu.memory_space<vmem>> -> memref<128x128xf32, #tpu.memory_space<vmem>>
    tpu.wait_dma2 semaphore(%arg16 : memref<!tpu.dma_semaphore, #tpu.memory_space<semaphore_mem>>) src(%dma_wait3A_272 : memref<128x128xf32, #tpu.memory_space<vmem>>) dst(%dma_wait3A_268 : memref<128x128xf32, #tpu.memory_space<hbm>>)
    return
  }
}

</mosaic_0001>

<sc_bundles>
// kernel: kernel.3.cloned.1.call-start
scs
__scs_entry_jumppad:
0x0: {  	(pc) =	sbr.rel $0x88, $3  }
0x1: {  	(tag) =	ssettag $0x0;
	lr =	simm.s32 $0x1  }
0x2: {  	[smem:$0x3F9F] =	sst lr;
	_ =	strace $0xD0000000  }
0x3: {  	_ = 	snop  }
0x4: {  	_ = 	snop  }
0x5: {  	_ = 	snop  }
0x6: {  	_ = 	snop  }
0x7: {  	_ = 	snop  }
__scs_overlays_trampoline_lowered:
0x8: {  	[smem:$0x3FAE] =	sst s0  }
0x9: {  	[smem:$0x3FAF] =	sst s1  }
0xa: {  	[smem:$0x3FB0] =	sst s2  }
0xb: {  	[smem:$0x3FB1] =	sst s3  }
0xc: {  	[smem:$0x3FB2] =	sst s4  }
0xd: {  	[smem:$0x3FB3] =	sst s5  }
0xe: {  	[smem:$0x3FB4] =	sst s6  }
0xf: {  	[smem:$0x3FB5] =	sst s7  }
0x10: {  	[smem:$0x3FB6] =	sst s8  }
0x11: {  	[smem:$0x3FB7] =	sst s9;
	s0 =	simm.s32 @!p0 $0x0  }
0x12: {  	s1 =	sld [smem:$0x3F9D];
	s0 =	simm.s32 @p0 $0x1  }
0x13: {  	[smem:$0x3FB8] =	sst s0;
	s0 =	simm.s32 @!p1 $0x0  }
0x14: {  	s2 =	sld [smem:$0x3F9C];
	s0 =	simm.s32 @p1 $0x1  }
0x15: {  	[smem:$0x3FB9] =	sst s0;
	s0 =	simm.s32 @!p2 $0x0  }
0x16: {  	s3 =	sld [smem:$0x3FDB];
	s0 =	simm.s32 @p2 $0x1  }
0x17: {  	s4 =	simm.s32 $0x1BF5;
	[smem:$0x3FBB] =	sst s0  }
0x18: {  	s0 =	sld [smem:$0x3F9E];
	_ =	swait.ge [sflag:s4], $0x0  }
0x19: {  	s7 =	sld [smem:$0x3F9F]  }
0x1a: {  	s8 =	sadd.s32 $0xFFFFE003, lr  }
0x1b: {  	s9 =	sadd.s32 $0xFFFFFEF7, lr;
	s5 =	simm.s32 $0xFFFFFFFF;
	p2 =	slt.u32 s8, $0xFFFFF086  }
0x1c: {  	p1 =	slt.u32 s9, $0xF7A;
	s5 =	simm.s32 @!p2 $0x0  }
0x1d: {  	s5 =	simm.s32 @p1 $0x1;
	p0 =	seq.s32 s7, s2  }
0x1e: {  	s7 =	smul.u32 @!p0 $0xF7A, s2;
	p2 =	seq.s32 @!p0 s5, $0x0  }
0x1f: {  	s9 =	smul.u32 $0xF7A, s1;
	s8 =	simm.s32 @!p0 $0x1BF5;
	p2 =	por !p2, p0  }
0x20: {  	[sflag:s8] =	ssyncset.s32 @!p0 $0xFFFFF086;
	s6 =	sadd.s32 @!p0 s3, s7;
	s7 =	simm.s32 @!p0 $0x108  }
0x21: {  	s3 =	sadd.s32 s3, s9;
	s6 =	sadd.s32 @!p0 $0x88, s6;
	s7 =	simm.s32 @p2 $0x1082  }
0x22: {  	[simem:s7], [sflag:s8] =	dma.local @!p0 [hbm:s6], $0xF7A  }
0x23: {  	s9 =	sor.u32 $0xD0000000, s2;
	s6 =	simm.s32 $0x108;
	_ =	swait.ge @!p0 [sflag:s8], $0x0  }
0x24: {  	s3 =	sadd.s32 $0x88, s3;
	s6 =	simm.s32 @!p1 $0x1082;
	[sflag:s4] =	ssyncset.s32 $0xFFFFF086  }
0x25: {  	[simem:s6], [sflag:s4] =	dma.local [hbm:s3], $0xF7A  }
0x26: {  	[smem:$0x3F9F] =	sst s1;
	(tag) =	ssettag s2;
	_ =	strace s9  }
0x27: {  	s1 =	sld [smem:$0x3FAF]  }
0x28: {  	s2 =	sld [smem:$0x3FB0]  }
0x29: {  	s4 =	sld [smem:$0x3FB2]  }
0x2a: {  	p0 =	seq.s32 s5, $0x0;
	s5 =	sld [smem:$0x3FB3]  }
0x2b: {  	s6 =	sld [smem:$0x3FB4]  }
0x2c: {  	s7 =	sld [smem:$0x3FB5]  }
0x2d: {  	s3 =	simm.s32 $0x108;
	s8 =	sld [smem:$0x3FB6]  }
0x2e: {  	s3 =	simm.s32 @!p0 $0x1082;
	s9 =	sld [smem:$0x3FB7]  }
0x2f: {  	lr =	sadd.s32 s0, s3;
	s0 =	sld [smem:$0x3FAE]  }
0x30: {  	s3 =	sld [smem:$0x3FB1]  }
0x31: {  	[smem:$0x3FBA] =	sst s10  }
0x32: {  	s10 =	sld [smem:$0x3FB8];
	_ =	sdelay $0x3  }
0x33: {  	p0 =	seq.s32 s10, $0x1;
	s10 =	sld [smem:$0x3FBA];
	_ =	sdelay $0x3  }
0x34: {  	[smem:$0x3FBA] =	sst s10  }
0x35: {  	s10 =	sld [smem:$0x3FB9];
	_ =	sdelay $0x3  }
0x36: {  	p1 =	seq.s32 s10, $0x1;
	s10 =	sld [smem:$0x3FBA];
	_ =	sdelay $0x3  }
0x37: {  	[smem:$0x3FBA] =	sst s10  }
0x38: {  	s10 =	sld [smem:$0x3FBB]  }
0x39: {  	_ = 	snop;
	(pc) =	sbr.ind lr, $3  }
0x3a: {  	_ = 	snop  }
0x3b: {  	_ = 	snop  }
0x3c: {  	p2 =	seq.s32 s10, $0x1;
	s10 =	sld [smem:$0x3FBA]  }
0x3d: {  	_ =	shalt  }
0x3e: {  	_ =	shalt  }
0x3f: {  	_ =	shalt  }
0x40: {  	_ =	shalt  }
0x41: {  	_ =	shalt  }
0x42: {  	_ =	shalt  }
0x43: {  	_ =	shalt  }
0x44: {  	_ =	shalt  }
0x45: {  	_ =	shalt  }
0x46: {  	_ =	shalt  }
0x47: {  	_ =	shalt  }
0x48: {  	_ =	shalt  }
0x49: {  	_ =	shalt  }
0x4a: {  	_ =	shalt  }
0x4b: {  	_ =	shalt  }
0x4c: {  	_ =	shalt  }
0x4d: {  	_ =	shalt  }
0x4e: {  	_ =	shalt  }
0x4f: {  	_ =	shalt  }
0x50: {  	_ =	shalt  }
0x51: {  	_ =	shalt  }
0x52: {  	_ =	shalt  }
0x53: {  	_ =	shalt  }
0x54: {  	_ =	shalt  }
0x55: {  	_ =	shalt  }
0x56: {  	_ =	shalt  }
0x57: {  	_ =	shalt  }
0x58: {  	_ =	shalt  }
0x59: {  	_ =	shalt  }
0x5a: {  	_ =	shalt  }
0x5b: {  	_ =	shalt  }
0x5c: {  	_ =	shalt  }
0x5d: {  	_ =	shalt  }
0x5e: {  	_ =	shalt  }
0x5f: {  	_ =	shalt  }
0x60: {  	_ =	shalt  }
0x61: {  	_ =	shalt  }
0x62: {  	_ =	shalt  }
0x63: {  	_ =	shalt  }
0x64: {  	_ =	shalt  }
0x65: {  	_ =	shalt  }
0x66: {  	_ =	shalt  }
0x67: {  	_ =	shalt  }
0x68: {  	_ =	shalt  }
0x69: {  	_ =	shalt  }
0x6a: {  	_ =	shalt  }
0x6b: {  	_ =	shalt  }
0x6c: {  	_ =	shalt  }
0x6d: {  	_ =	shalt  }
0x6e: {  	_ =	shalt  }
0x6f: {  	_ =	shalt  }
0x70: {  	_ =	shalt  }
0x71: {  	_ =	shalt  }
0x72: {  	_ =	shalt  }
0x73: {  	_ =	shalt  }
0x74: {  	_ =	shalt  }
0x75: {  	_ =	shalt  }
0x76: {  	_ =	shalt  }
0x77: {  	_ =	shalt  }
0x78: {  	_ =	shalt  }
0x79: {  	_ =	shalt  }
0x7a: {  	_ =	shalt  }
0x7b: {  	_ =	shalt  }
0x7c: {  	_ =	shalt  }
0x7d: {  	_ =	shalt  }
0x7e: {  	_ =	shalt  }
0x7f: {  	_ =	shalt  }
0x80: {  	_ =	shalt  }
0x81: {  	_ =	shalt  }
0x82: {  	_ =	shalt  }
0x83: {  	_ =	shalt  }
0x84: {  	_ =	shalt  }
0x85: {  	_ =	shalt  }
0x86: {  	_ =	shalt  }
0x87: {  	_ =	shalt  }
.Lfunc_end0:
.L_simem_size_0:
called_computation_lowered:
.L_overlay_start_0:
0x88: {  	s2 =	sld [smem:$0x3FD9]  }
0x89: {  	s3 =	sld [smem:$0x3FFE];
	_ =	sdelay $0x1  }
0x8a: {  	s1 =	srdreg.scid  }
0x8b: {  	s0 =	sand.u32 $0x1, s1  }
0x8c: {  	s17 =	sshll.u32 s0, $0xA;
	s2 =	sadd.s32 s3, s2  }
0x8d: {  	s2 =	sadd.s32 s2, s17  }
0x8e: {  	[smem:$0x3FC6] =	sst s2  }
0x8f: {  	_ = 	snop  }
0x90: {  	s2 =	sld [smem:$0x3FC8]  }
0x91: {  	s18 =	sld [smem:$0x3FD0];
	(tm) =	ssettm $0x1  }
0x92: {  	s4 =	sld [smem:$0x3FFB];
	_ =	sdelay $0x3  }
0x93: {  	_ =	strace s4  }
0x94: {  	s4 =	sld [smem:$0x3FFC];
	_ =	sdelay $0x3  }
0x95: {  	_ =	strace s4  }
0x96: {  	s4 =	sld [smem:$0x3FFD];
	_ =	sdelay $0x3  }
0x97: {  	_ =	strace s4  }
0x98: {  	_ =	strace $0x8FFFFFFF  }
0x99: {  	s19 =	sld [smem:$0x3FDB];
	_ =	sdelay $0x1  }
0x9a: {  	s5 =	simm.s32 $_scs_section_size  }
0x9b: {  	s6 =	simm.s32 $_size__tile_overlayer_lowered;
	s7 =	simm.s32 $_tile_overlayer_lowered  }
0x9c: {  	s22 =	simm.s32 $0x1BFF;
	s21 =	sshll.u32 s7, $0x1;
	s4 =	sadd.s32 s5, s19  }
0x9d: {  	s8 =	simm.s32 $0x0;
	s20 =	sshll.u32 s6, $0x1;
	s6 =	sadd.s32 s21, s4  }
0x9e: {  	[timem:s8], [sflag:s22] =	dma.local [hbm:s6], s20  }
0x9f: {  	_ =	swait.ge [sflag:s22], s20  }
0xa0: {  	s5 =	ssub.s32 $0x0, s20;
	[sflag:s22] =	ssyncset.done $0x0  }
0xa1: {  	[sflag:s22] =	ssyncadd.s32 s5;
	_ =	sdelay $0x1  }
0xa2: {  	s23 =	simm.s32 $0x1B8B  }
0xa3: {  	_ =	swait.ge [sflag:s23], $0x1  }
0xa4: {  	[sflag:s23] =	ssyncset.done $0x0  }
0xa5: {  	s25 =	simm.s32 $0x1B8E;
	s24 =	sld [smem:$0x3FFE];
	[sflag:s23] =	ssyncadd.s32 $0xFFFFFFFF  }
0xa6: {  	s26 =	simm.s32 $execute0_lowered;
	[smem:$0x3FD2] =	sst s25  }
0xa7: {  	s6 =	sshll.u32 s26, $0x1;
	_ =	strace $0x80000046;
	[dreg:$0x1] =	wrdreg $0xFFFFFFFF  }
0xa8: {  	s28 =	simm.s32 $_size_execute0_lowered;
	s4 =	sadd.s32 s4, s6;
	[dreg:$0x0] =	wrdreg $0x0  }
0xa9: {  	s6 =	sshll.u32 s28, $0x1;
	[dreg:$0x2] =	wrdreg s4  }
0xaa: {  	[dreg:$0x3] =	wrdreg s6  }
0xab: {  	[dreg:$0x4] =	wrdreg $0xC0  }
0xac: {  	_ =	task [dreg:s8], $0x5FFFF  }
0xad: {  	[dreg:$0x1] =	wrdreg $0xFFFFFFFF  }
0xae: {  	[dreg:$0x0] =	wrdreg $0x60  }
0xaf: {  	[dreg:$0x2] =	wrdreg s24  }
0xb0: {  	[dreg:$0x3] =	wrdreg s2  }
0xb1: {  	[dreg:$0x4] =	wrdreg s18  }
0xb2: {  	[dreg:$0x5] =	wrdreg $0x9  }
0xb3: {  	_ =	task.clear_ibuf [dreg:s8], $0x6FFFF;
	_ =	strace $0x90000046  }
0xb4: {  	s29 =	simm.s32 $0x9;
	_ =	strace $0x80000048  }
0xb5: {  	_ =	swait.ge [sflag:s29], $0x1  }
0xb6: {  	[sflag:s29] =	ssyncadd.s32 $0xFFFFFFFF  }
0xb7: {  	_ =	strace $0x90000048  }
0xb8: {  	_ =	sfence  }
0xb9: {  	s30 =	sld [smem:$0x0];
	_ =	sdelay $0x2  }
0xba: {  	s31 =	sshll.u32 s1, $0xD;
	s1 =	sshrl.u32 s1, $0x2  }
0xbb: {  	s3 =	sand.u32 $0x4000, s31;
	s1 =	sadd.s32 s1, s30  }
0xbc: {  	s0 =	sor.u32 s3, s0;
	s1 =	sshll.u32 s1, $0x11  }
0xbd: {  	s0 =	sor.u32 s1, s0  }
0xbe: {  	s0 =	sadd.s32 $0x8F2B, s0  }
0xbf: {  	[sflag:s0] =	ssyncadd.remote.s32 $0x1  }
0xc0: {  	_ =	sfence.sel $0xFFFF  }
0xc1: {  	[dreg:$0x0] =	wrdreg $0xFFFFFFFF;
	(pc) =	sbr.abs _section_cstart, $3  }
0xc2: {  	[dreg:$0x1] =	wrdreg $0xFFFFFFFF  }
0xc3: {  	_ =	task.clear_ibuf [dreg:s8], $0x2FFFF;
	_ =	strace $0x9FFFFFFF  }
0xc4: {  	(tm) =	ssettm $0x7FFFFFFF  }
0xc5: {  	_ =	shalt  }
tec
execute0_lowered:
.L_overlay_start_1:
0x0: {  	(tag) =	ssettag $0x1  }
0x1: {  	s0 =	rddreg [dreg:$0x0]  }
0x2: {  	s1 =	srdreg.scid;
	s2 =	rddreg [dreg:$0x1]  }
0x3: {  	s8 =	stileid.u32;
	s7 =	rddreg [dreg:$0x2]  }
0x4: {  	s12 =	simm.s32 $0xB;
	s13 =	simm.s32 $0x80;
	s14 =	simm.s32 $0x6400  }
0x5: {  	s15 =	simm.s32 $0xA400;
	s17 =	simm.s32 $0xE400;
	s19 =	simm.s32 $0x12400  }
0x6: {  	s21 =	simm.s32 $0x16400;
	s22 =	simm.s32 $0x1;
	s23 =	simm.s32 $0x2  }
0x7: {  	s28 =	simm.s32 $0x6;
	s29 =	simm.s32 $0x7;
	s30 =	simm.s32 $0x8  }
0x8: {  	s1 =	sand.u32 $0x1, s1;
	s3 =	sshll.u32 s8, $0x1;
	s8 =	smul.u32 $0xC8000, s8  }
0x9: {  	s4 =	sor.u32 s1, s3;
	s6 =	ssub.s32 $0x2, s1;
	s1 =	smul.u32 $0x64000, s1  }
0xa: {  	s31 =	simm.s32 $0x9;
	s3 =	simm.s32 $0x0;
	s5 =	smul.u32 $0xC80, s4  }
0xb: {  	[smem:$0x7FF] =	sst s3;
	s4 =	smul.u32 $0x320000, s4;
	s24 =	sshrl.u32 s6, $0x1  }
0xc: {  	s9 =	sadd.s32 s8, s7;
	_ =	strace $0x80000047;
	s10 =	ssub.s32 s6, s24  }
0xd: {  	s1 =	sadd.s32 s1, s9;
	s24 =	simm.s32 $0x3;
	s0 =	sadd.s32 s5, s0  }
0xe: {  	s25 =	sshrl.u32 s4, $0x3;
	s10 =	smax.u32 s10, $0x1;
	s11 =	sadd.s32 $0x2000, s1  }
0xf: {  	s1 =	simm.s32 $0xA;
	s0 =	sadd.s32 $0x400, s0;
	s26 =	sadd.s32 s7, s25  }
0x10: {  	s25 =	simm.s32 $0x4;
	[dreg:$0x4] =	wrdreg s0;
	s5 =	sadd.s32 $0x61800, s26  }
0x11: {  	s6 =	sadd.s32 $0x62000, s26;
	s7 =	sadd.s32 $0x62800, s26;
	s8 =	sadd.s32 $0x63000, s26  }
0x12: {  	s9 =	sadd.s32 $0x63800, s26;
	s26 =	simm.s32 $0x5;
	s0 =	simm.s32 $0x0  }
.LBB2_1:
0x13: {  	s4 =	rddreg [dreg:$0x4]  }
0x14: {  	[tilespmem:s3], [sflag:$0xB] =	stream.linear.gather [hbm4b:s4+s3], $0x6400, $0x38;
	[tilespmem:$0x1A400] =	vst v63  }
0x15: {  	_ =	swait.ge [sflag:s12], $0x6400  }
0x16: {  	[sflag:s12] =	ssyncset.done $0x0  }
0x17: {  	[sflag:s12] =	ssyncadd.s32 $0xFFFF9C00  }
0x18: {  	[tilespmem:s14], [sflag:$0x1] =	stream.indirect.gather [hbm4b:s2+s13], $0x80, s3, s13, $0xb8;
	[tilespmem:$0x1A400] =	vst v63  }
0x19: {  	_ = 	snop  }
0x1a: {  	[tilespmem:s15], [sflag:$0x2] =	stream.indirect.gather [hbm4b:s2+s13], $0x80, s13, s13, $0xb8;
	[tilespmem:$0x1A400] =	vst v63  }
0x1b: {  	s20 =	simm.s32 $0x100  }
0x1c: {  	[tilespmem:s17], [sflag:$0x3] =	stream.indirect.gather [hbm4b:s2+s13], $0x80, s20, s13, $0xb8;
	[tilespmem:$0x1A400] =	vst v63  }
0x1d: {  	s16 =	simm.s32 $0x180  }
0x1e: {  	[tilespmem:s19], [sflag:$0x4] =	stream.indirect.gather [hbm4b:s2+s13], $0x80, s16, s13, $0xb8;
	[tilespmem:$0x1A400] =	vst v63  }
0x1f: {  	s18 =	simm.s32 $0x200  }
0x20: {  	[tilespmem:s21], [sflag:$0x5] =	stream.indirect.gather [hbm4b:s2+s13], $0x80, s18, s13, $0xb8;
	[tilespmem:$0x1A400] =	vst v63  }
0x21: {  	_ =	swait.ge [sflag:s22], $0x4000  }
0x22: {  	[sflag:s22] =	ssyncset.done $0x0  }
0x23: {  	s16 =	sadd.s32 $0xFFFFE000, s11;
	[sflag:s22] =	ssyncadd.s32 $0xFFFFC000  }
0x24: {  	[hbm4b:s16+s3] =	stream.linear.scatter [tilespmem:s14], [sflag:$0x6], $0x4000, $0x38;
	[tilespmem:$0x1A400] =	vst v63  }
0x25: {  	_ =	swait.ge [sflag:s23], $0x4000  }
0x26: {  	[sflag:s23] =	ssyncset.done $0x0  }
0x27: {  	s20 =	sadd.s32 $0xFFFFE800, s11;
	[sflag:s23] =	ssyncadd.s32 $0xFFFFC000  }
0x28: {  	[hbm4b:s20+s3] =	stream.linear.scatter [tilespmem:s15], [sflag:$0x7], $0x4000, $0x38;
	[tilespmem:$0x1A400] =	vst v63  }
0x29: {  	_ =	swait.ge [sflag:s24], $0x4000  }
0x2a: {  	[sflag:s24] =	ssyncset.done $0x0  }
0x2b: {  	s4 =	sadd.s32 $0xFFFFF000, s11;
	[sflag:s24] =	ssyncadd.s32 $0xFFFFC000  }
0x2c: {  	[hbm4b:s4+s3] =	stream.linear.scatter [tilespmem:s17], [sflag:$0x8], $0x4000, $0x38;
	[tilespmem:$0x1A400] =	vst v63  }
0x2d: {  	_ =	swait.ge [sflag:s25], $0x4000  }
0x2e: {  	[sflag:s25] =	ssyncset.done $0x0  }
0x2f: {  	s18 =	sadd.s32 $0xFFFFF800, s11;
	[sflag:s25] =	ssyncadd.s32 $0xFFFFC000  }
0x30: {  	[hbm4b:s18+s3] =	stream.linear.scatter [tilespmem:s19], [sflag:$0x9], $0x4000, $0x38;
	[tilespmem:$0x1A400] =	vst v63  }
0x31: {  	_ =	swait.ge [sflag:s26], $0x4000  }
0x32: {  	[sflag:s26] =	ssyncset.done $0x0  }
0x33: {  	[sflag:s26] =	ssyncadd.s32 $0xFFFFC000  }
0x34: {  	[hbm4b:s11+s3] =	stream.linear.scatter [tilespmem:s21], [sflag:$0xA], $0x4000, $0x38;
	[tilespmem:$0x1A400] =	vst v63  }
0x35: {  	_ =	swait.ge [sflag:s28], $0x4000  }
0x36: {  	[sflag:s28] =	ssyncset.done $0x0  }
0x37: {  	s20 =	simm.s32 $0x280;
	[sflag:s28] =	ssyncadd.s32 $0xFFFFC000  }
0x38: {  	[tilespmem:s14], [sflag:$0x1] =	stream.indirect.gather [hbm4b:s2+s13], $0x80, s20, s13, $0xb8;
	[tilespmem:$0x1A400] =	vst v63  }
0x39: {  	_ =	swait.ge [sflag:s29], $0x4000  }
0x3a: {  	[sflag:s29] =	ssyncset.done $0x0  }
0x3b: {  	s4 =	simm.s32 $0x300;
	[sflag:s29] =	ssyncadd.s32 $0xFFFFC000  }
0x3c: {  	[tilespmem:s15], [sflag:$0x2] =	stream.indirect.gather [hbm4b:s2+s13], $0x80, s4, s13, $0xb8;
	[tilespmem:$0x1A400] =	vst v63  }
0x3d: {  	_ =	swait.ge [sflag:s30], $0x4000  }
0x3e: {  	[sflag:s30] =	ssyncset.done $0x0  }
0x3f: {  	s18 =	simm.s32 $0x380;
	[sflag:s30] =	ssyncadd.s32 $0xFFFFC000  }
0x40: {  	[tilespmem:s17], [sflag:$0x3] =	stream.indirect.gather [hbm4b:s2+s13], $0x80, s18, s13, $0xb8;
	[tilespmem:$0x1A400] =	vst v63  }
0x41: {  	_ =	swait.ge [sflag:s31], $0x4000  }
0x42: {  	[sflag:s31] =	ssyncset.done $0x0  }
0x43: {  	s20 =	simm.s32 $0x400;
	[sflag:s31] =	ssyncadd.s32 $0xFFFFC000  }
0x44: {  	[tilespmem:s19], [sflag:$0x4] =	stream.indirect.gather [hbm4b:s2+s13], $0x80, s20, s13, $0xb8;
	[tilespmem:$0x1A400] =	vst v63  }
0x45: {  	_ =	swait.ge [sflag:s1], $0x4000  }
0x46: {  	s16 =	simm.s32 $0xA00;
	[sflag:s1] =	ssyncset.done $0x0  }
0x47: {  	s18 =	sadd.s32 $0x2800, s11;
	s20 =	simm.s32 $0x480;
	[sflag:s1] =	ssyncadd.s32 $0xFFFFC000  }
.LBB2_2:
0x48: {  	[tilespmem:s21], [sflag:$0x5] =	stream.indirect.gather [hbm4b:s2+s13], $0x80, s20, s13, $0xb8;
	[tilespmem:$0x1A400] =	vst v63  }
0x49: {  	s20 =	smov.u32 s16  }
0x4a: {  	p0 =	sne.s32 s16, $0x17C00;
	s16 =	sadd.s32 $0xA00, s16;
	_ =	swait.ge [sflag:s22], $0x4000  }
0x4b: {  	[sflag:s22] =	ssyncset.done $0x0  }
0x4c: {  	s4 =	sadd.s32 $0xFFFFE000, s18;
	[sflag:s22] =	ssyncadd.s32 $0xFFFFC000  }
0x4d: {  	[hbm4b:s4+s3] =	stream.linear.scatter [tilespmem:s14], [sflag:$0x6], $0x4000, $0x38;
	[tilespmem:$0x1A400] =	vst v63  }
0x4e: {  	_ =	swait.ge [sflag:s23], $0x4000  }
0x4f: {  	[sflag:s23] =	ssyncset.done $0x0  }
0x50: {  	s4 =	sadd.s32 $0xFFFFE800, s18;
	[sflag:s23] =	ssyncadd.s32 $0xFFFFC000  }
0x51: {  	[hbm4b:s4+s3] =	stream.linear.scatter [tilespmem:s15], [sflag:$0x7], $0x4000, $0x38;
	[tilespmem:$0x1A400] =	vst v63  }
0x52: {  	_ =	swait.ge [sflag:s24], $0x4000  }
0x53: {  	[sflag:s24] =	ssyncset.done $0x0  }
0x54: {  	s4 =	sadd.s32 $0xFFFFF000, s18;
	[sflag:s24] =	ssyncadd.s32 $0xFFFFC000  }
0x55: {  	[hbm4b:s4+s3] =	stream.linear.scatter [tilespmem:s17], [sflag:$0x8], $0x4000, $0x38;
	[tilespmem:$0x1A400] =	vst v63  }
0x56: {  	_ =	swait.ge [sflag:s25], $0x4000  }
0x57: {  	[sflag:s25] =	ssyncset.done $0x0  }
0x58: {  	s4 =	sadd.s32 $0xFFFFF800, s18;
	[sflag:s25] =	ssyncadd.s32 $0xFFFFC000  }
0x59: {  	[hbm4b:s4+s3] =	stream.linear.scatter [tilespmem:s19], [sflag:$0x9], $0x4000, $0x38;
	[tilespmem:$0x1A400] =	vst v63  }
0x5a: {  	_ =	swait.ge [sflag:s26], $0x4000  }
0x5b: {  	[sflag:s26] =	ssyncset.done $0x0  }
0x5c: {  	[sflag:s26] =	ssyncadd.s32 $0xFFFFC000  }
0x5d: {  	[hbm4b:s18+s3] =	stream.linear.scatter [tilespmem:s21], [sflag:$0xA], $0x4000, $0x38;
	[tilespmem:$0x1A400] =	vst v63  }
0x5e: {  	_ =	swait.ge [sflag:s28], $0x4000  }
0x5f: {  	s4 =	sshra.s32 s20, $0x2;
	[sflag:s28] =	ssyncset.done $0x0  }
0x60: {  	s20 =	sadd.s32 $0x280, s4;
	[sflag:s28] =	ssyncadd.s32 $0xFFFFC000  }
0x61: {  	[tilespmem:s14], [sflag:$0x1] =	stream.indirect.gather [hbm4b:s2+s13], $0x80, s20, s13, $0xb8;
	[tilespmem:$0x1A400] =	vst v63  }
0x62: {  	_ =	swait.ge [sflag:s29], $0x4000  }
0x63: {  	[sflag:s29] =	ssyncset.done $0x0  }
0x64: {  	s20 =	sadd.s32 $0x300, s4;
	[sflag:s29] =	ssyncadd.s32 $0xFFFFC000  }
0x65: {  	[tilespmem:s15], [sflag:$0x2] =	stream.indirect.gather [hbm4b:s2+s13], $0x80, s20, s13, $0xb8;
	[tilespmem:$0x1A400] =	vst v63  }
0x66: {  	_ =	swait.ge [sflag:s30], $0x4000  }
0x67: {  	[sflag:s30] =	ssyncset.done $0x0  }
0x68: {  	s20 =	sadd.s32 $0x380, s4;
	[sflag:s30] =	ssyncadd.s32 $0xFFFFC000  }
0x69: {  	[tilespmem:s17], [sflag:$0x3] =	stream.indirect.gather [hbm4b:s2+s13], $0x80, s20, s13, $0xb8;
	[tilespmem:$0x1A400] =	vst v63  }
0x6a: {  	_ =	swait.ge [sflag:s31], $0x4000  }
0x6b: {  	[sflag:s31] =	ssyncset.done $0x0  }
.Ltmp0:
0x6c: {  	s20 =	sadd.s32 $0x400, s4;
	[sflag:s31] =	ssyncadd.s32 $0xFFFFC000;
	(pc) =	sbr.rel @p0 .LBB2_2-.Ltmp0, $4  }
0x6d: {  	[tilespmem:s19], [sflag:$0x4] =	stream.indirect.gather [hbm4b:s2+s13], $0x80, s20, s13, $0xb8;
	[tilespmem:$0x1A400] =	vst v63  }
0x6e: {  	_ =	swait.ge [sflag:s1], $0x4000  }
0x6f: {  	[sflag:s1] =	ssyncset.done $0x0  }
0x70: {  	s18 =	sadd.s32 $0x2800, s18;
	s20 =	sadd.s32 $0x480, s4;
	[sflag:s1] =	ssyncadd.s32 $0xFFFFC000  }
0x71: {  	[tilespmem:s21], [sflag:$0x5] =	stream.indirect.gather [hbm4b:s2+s13], $0x80, s20, s13, $0xb8;
	[tilespmem:$0x1A400] =	vst v63  }
0x72: {  	_ =	swait.ge [sflag:s22], $0x4000  }
0x73: {  	[sflag:s22] =	ssyncset.done $0x0  }
0x74: {  	[sflag:s22] =	ssyncadd.s32 $0xFFFFC000  }
0x75: {  	[hbm4b:s5+s3] =	stream.linear.scatter [tilespmem:s14], [sflag:$0x6], $0x4000, $0x38;
	[tilespmem:$0x1A400] =	vst v63  }
0x76: {  	_ =	swait.ge [sflag:s23], $0x4000  }
0x77: {  	[sflag:s23] =	ssyncset.done $0x0  }
0x78: {  	[sflag:s23] =	ssyncadd.s32 $0xFFFFC000  }
0x79: {  	[hbm4b:s6+s3] =	stream.linear.scatter [tilespmem:s15], [sflag:$0x7], $0x4000, $0x38;
	[tilespmem:$0x1A400] =	vst v63  }
0x7a: {  	_ =	swait.ge [sflag:s24], $0x4000  }
0x7b: {  	[sflag:s24] =	ssyncset.done $0x0  }
0x7c: {  	[sflag:s24] =	ssyncadd.s32 $0xFFFFC000  }
0x7d: {  	[hbm4b:s7+s3] =	stream.linear.scatter [tilespmem:s17], [sflag:$0x8], $0x4000, $0x38;
	[tilespmem:$0x1A400] =	vst v63  }
0x7e: {  	_ =	swait.ge [sflag:s25], $0x4000  }
0x7f: {  	[sflag:s25] =	ssyncset.done $0x0  }
0x80: {  	[sflag:s25] =	ssyncadd.s32 $0xFFFFC000  }
0x81: {  	[hbm4b:s8+s3] =	stream.linear.scatter [tilespmem:s19], [sflag:$0x9], $0x4000, $0x38;
	[tilespmem:$0x1A400] =	vst v63  }
0x82: {  	_ =	swait.ge [sflag:s26], $0x4000  }
0x83: {  	[sflag:s26] =	ssyncset.done $0x0  }
0x84: {  	[sflag:s26] =	ssyncadd.s32 $0xFFFFC000  }
0x85: {  	[hbm4b:s9+s3] =	stream.linear.scatter [tilespmem:s21], [sflag:$0xA], $0x4000, $0x38;
	[tilespmem:$0x1A400] =	vst v63  }
0x86: {  	_ =	swait.ge [sflag:s28], $0x4000  }
0x87: {  	[sflag:s28] =	ssyncset.done $0x0  }
0x88: {  	[sflag:s28] =	ssyncadd.s32 $0xFFFFC000  }
0x89: {  	_ =	swait.ge [sflag:s29], $0x4000  }
0x8a: {  	[sflag:s29] =	ssyncset.done $0x0  }
0x8b: {  	[sflag:s29] =	ssyncadd.s32 $0xFFFFC000  }
0x8c: {  	_ =	swait.ge [sflag:s30], $0x4000  }
0x8d: {  	[sflag:s30] =	ssyncset.done $0x0  }
0x8e: {  	s0 =	sadd.s32 $0x1, s0;
	[sflag:s30] =	ssyncadd.s32 $0xFFFFC000  }
0x8f: {  	p0 =	sne.s32 s0, s10;
	_ =	swait.ge [sflag:s31], $0x4000  }
.Ltmp1:
0x90: {  	[sflag:s31] =	ssyncset.done $0x0;
	(pc) =	sbr.rel @p0 .LBB2_1-.Ltmp1, $4  }
0x91: {  	[sflag:s31] =	ssyncadd.s32 $0xFFFFC000  }
0x92: {  	_ =	swait.ge [sflag:s1], $0x4000  }
0x93: {  	[sflag:s1] =	ssyncset.done $0x0  }
0x94: {  	[sflag:s1] =	ssyncadd.s32 $0xFFFFC000  }
0x95: {  	_ =	sfence.sel $0x180000  }
0x96: {  	[bflag:$0x0] =	sbarrier.arrive $0xFFFF  }
0x97: {  	_ =	strace $0x90000047  }
0x98: {  	s0 =	stileid.u32;
	[bflag:$0x2] =	sbarrier.arrive $0xFFFF  }
0x99: {  	p0 =	sne.s32 s0, $0x0;
	s0 =	rddreg [dreg:$0x3]  }
0x9a: {  	s0 =	sadd.s32 @!p0 $0x100000, s0  }
0x9b: {  	[sflag:s0] =	ssyncadd.tile.s32 @!p0 $0x1;
	_ =	shalt  }
.Lfunc_end2:
_tile_overlayer_lowered:
.L_overlay_start_2:
0x9c: {  	(tag) =	ssettag $0x2  }
0x9d: {  	s0 =	rddreg [dreg:$0x0];
	s2 =	stileid.u32  }
0x9e: {  	s1 =	rddreg [dreg:$0x1];
	p0 =	sne.s32 s2, $0x0  }
0x9f: {  	s3 =	rddreg [dreg:$0x2];
	[bflag:$0x3] =	sbarrier.arrive $0xFFFF;
	s2 =	simm.s32 @!p0 $0x1C0B  }
0xa0: {  	[timem:s3], [sflag:s2] =	dma.local @!p0 [hbm:s0], s1  }
0xa1: {  	s0 =	simm.s32 @!p0 $0xB  }
0xa2: {  	_ =	swait.ge @!p0 [sflag:s0], s1  }
0xa3: {  	s1 =	ssub.s32 @!p0 $0x0, s1;
	[sflag:s0] =	ssyncset.done @!p0 $0x0  }
0xa4: {  	[sflag:s0] =	ssyncadd.s32 @!p0 s1  }
0xa5: {  	[bflag:$0x3] =	sbarrier.arrive $0xFFFF  }
0xa6: {  	_ =	shalt  }

</sc_bundles>
